<compile_context>
chip_gen: v7x
topology: tpu7x:2x2x1
jax: 0.10.2.dev20260603
libtpu: 0.0.44.dev20260713+nightly
codegen_flags: <defaults>
</compile_context>

<pallas_src>
import functools

import jax
import jax.numpy as jnp
from jax import lax
from jax.scipy.special import gammaln, digamma
from jax.experimental import pallas as pl
from jax.experimental.pallas import tpu as pltpu
from jax.experimental.pallas import tpu_sc as plsc

NV = 4096
NH = 65536
ND = 102400
NN = NV * NV

NC, NS = 2, 16
NW = NC * NS
NSTR = 2


def _softplus(x):
    return jnp.maximum(x, 0.0) + jnp.log1p(jnp.exp(-jnp.abs(x)))


def _tiled_flat(r, c):
    return (((r >> 3) * (NV // 128) + (c >> 7)) * 1024
            + (r & 7) * 128 + (c & 127))


def _prep_body(th, ar, br, wd, hr, hc, dr, dc,
               hw_o, pk_o, hf_o, df_o):
    u32 = jnp.uint32
    hw_o[...] = _softplus(th[...])
    a = _softplus(ar[...]) + 0.001
    b = _softplus(br[...]) + 0.001
    piv = a / (a + b)
    hf_o[...] = _tiled_flat(hr[...], hc[...])
    df_o[...] = _tiled_flat(dr[...], dc[...])
    wb = lax.bitcast_convert_type(wd[...], u32) + u32(0x8000)
    pb = lax.bitcast_convert_type(piv, u32) + u32(0x8000)
    packed = (pb & u32(0xFFFF0000)) | (wb >> u32(16))
    pk_o[...] = lax.bitcast_convert_type(packed, jnp.int32)


def _prep(theta, a_raw, b_raw, wd, hr, hc, dr, dc):
    f32 = jnp.float32
    i32 = jnp.int32
    return pl.pallas_call(
        _prep_body,
        out_shape=(
            jax.ShapeDtypeStruct((NH // 128, 128), f32),
            jax.ShapeDtypeStruct((ND // 128, 128), i32),
            jax.ShapeDtypeStruct((NH // 128, 128), i32),
            jax.ShapeDtypeStruct((ND // 128, 128), i32),
        ),
    )(theta, a_raw, b_raw, wd, hr, hc, dr, dc)


def _sc_scatter1_body(idx_hbm, val_hbm, m, *scr):
    n = (len(scr) - 1) // 2
    ivs = scr[0:n]
    vvs = scr[n:2 * n]
    sem = scr[2 * n]
    c = lax.axis_index("c")
    s = lax.axis_index("s")
    wid = s * NC + c
    epw = idx_hbm.shape[0] // NW
    ch = epw // n
    base = pl.multiple_of(wid * epw, epw)
    for j in range(n):
        pltpu.sync_copy(idx_hbm.at[pl.ds(base + j * ch, ch)], ivs[j])
        pltpu.sync_copy(val_hbm.at[pl.ds(base + j * ch, ch)], vvs[j])
    cps = [pltpu.async_copy(vvs[j], m.at[ivs[j]], sem) for j in range(n)]
    for cp in cps:
        cp.wait()


@functools.cache
def _sc_scatter1(n_edges, val_dtype):
    ch = n_edges // NW // NSTR
    return pl.kernel(
        _sc_scatter1_body,
        out_type=(),
        mesh=plsc.VectorSubcoreMesh(core_axis_name="c", subcore_axis_name="s",
                                    num_cores=NC, num_subcores=NS),
        scratch_types=(
            [pltpu.VMEM((ch,), jnp.int32)] * NSTR
            + [pltpu.VMEM((ch,), val_dtype)] * NSTR
            + [pltpu.SemaphoreType.DMA]
        ),
    )


_MUL_ROWS = 256
_TR = _MUL_ROWS // 8
_TC = NV // 128
_BLK = _MUL_ROWS * NV


def _mul_body(m1, m2, kt, out, kl_o):
    i32 = jnp.int32
    w1 = m1[...]
    v = m2[...]
    w_f = lax.bitcast_convert_type(v << i32(16), jnp.float32)
    pi_f = lax.bitcast_convert_type(v & i32(-65536), jnp.float32)
    eff = (jnp.where(w1 != 0.0, 1.0, 0.0) + pi_f) * (w1 + w_f)
    out[...] = (eff.reshape(_TR, _TC, 8, 128)
                .transpose(0, 2, 1, 3)
                .reshape(_MUL_ROWS, NV))

    @pl.when(pl.program_id(0) == 0)
    def _():
        kl_o[0] = jnp.sum(kt[...])


def _mul(m1, m2, kt):
    grid = NN // _BLK
    flat_spec = pl.BlockSpec((_BLK,), lambda i: (i,))
    return pl.pallas_call(
        _mul_body,
        grid=(grid,),
        in_specs=[flat_spec, flat_spec,
                  pl.BlockSpec((ND // 128, 128), lambda i: (0, 0))],
        out_specs=(
            pl.BlockSpec((_MUL_ROWS, NV), lambda i: (i, 0)),
            pl.BlockSpec(memory_space=pltpu.MemorySpace.SMEM),
        ),
        out_shape=(
            jax.ShapeDtypeStruct((NV, NV), jnp.float32),
            jax.ShapeDtypeStruct((1,), jnp.float32),
        ),
    )(m1, m2, kt)


def kernel(theta_hard, w_disc, a_raw, b_raw, prior_a, prior_b,
           hard_idx, disc_idx):
    i32 = jnp.int32
    hr = hard_idx[:, 0].astype(i32).reshape(NH // 128, 128)
    hc = hard_idx[:, 1].astype(i32).reshape(NH // 128, 128)
    dr = disc_idx[:, 0].astype(i32).reshape(ND // 128, 128)
    dc = disc_idx[:, 1].astype(i32).reshape(ND // 128, 128)
    theta = theta_hard.reshape(NH // 128, 128)
    ar = a_raw.reshape(ND // 128, 128)
    br = b_raw.reshape(ND // 128, 128)

    a = jax.nn.softplus(a_raw) + 0.001
    b = jax.nn.softplus(b_raw) + 0.001
    kt = (gammaln(prior_a) + gammaln(prior_b) - gammaln(prior_a + prior_b)
          - gammaln(a) - gammaln(b) + gammaln(a + b)
          + (a - prior_a) * digamma(a)
          + (b - prior_b) * digamma(b)
          + (prior_a + prior_b - a - b) * digamma(a + b))

    hw, pk, hf, df = _prep(theta, ar, br, w_disc.reshape(ND // 128, 128),
                           hr, hc, dr, dc)

    m2 = jax.new_ref(jnp.zeros((NN,), jnp.int32))
    _sc_scatter1(ND, jnp.int32)(df.reshape(ND), pk.reshape(ND), m2)
    m1 = jax.new_ref(jnp.zeros((NN,), jnp.float32))
    _sc_scatter1(NH, jnp.float32)(hf.reshape(NH), hw.reshape(NH), m1)

    eff, kl = _mul(m1[...], m2[...], kt.reshape(ND // 128, 128))
    return eff, kl[0]

# --- scband reference (transcript-rebuilt; emitter-appended) ---
"""Pipeline reference for scband-hybrid-causal-graph-4672924418503 (READ-ONLY COPY).

The authoritative reference and input builder live on the scoring server;
editing this copy changes nothing except your own understanding.
"""

import jax, jax.numpy as jnp
import numpy as np
from jax.scipy.special import gammaln, digamma

N_VARS = 4096
N_HARD = 65536
N_DISC = 102400


def _softplus_inv(y):
    return y + jnp.log1p(-jnp.exp(-y))


def setup_inputs(seed: int = 0) -> dict:
    key = jax.random.key(seed)
    ks = jax.random.split(key, 8)
    # hard-edge raw weights: torch init is softplus_inv(1.0) (constant ~0.5413); add small noise
    theta_hard = jnp.full((N_HARD,), 0.5413248546, dtype=jnp.float32) + 0.01 * jax.random.normal(ks[0], (N_HARD,), dtype=jnp.float32)
    w_disc = 0.1 * jax.random.normal(ks[1], (N_DISC,), dtype=jnp.float32)
    # Beta prior params: plausible edges use (pi*kappa, (1-pi)*kappa), unknown use (1,1); emulate with positive draws
    prior_a = jax.random.uniform(ks[2], (N_DISC,), dtype=jnp.float32, minval=0.5, maxval=3.5)
    prior_b = jax.random.uniform(ks[3], (N_DISC,), dtype=jnp.float32, minval=0.5, maxval=3.5)
    # posterior raw params initialized at softplus_inv(prior) as in torch __init__
    a_raw = _softplus_inv(prior_a)
    b_raw = _softplus_inv(prior_b)
    hard_idx = jax.random.randint(ks[4], (N_HARD, 2), 0, N_VARS).astype(jnp.int64)
    disc_idx = jax.random.randint(ks[5], (N_DISC, 2), 0, N_VARS).astype(jnp.int64)
    return {
        "theta_hard": theta_hard,
        "w_disc": w_disc,
        "a_raw": a_raw,
        "b_raw": b_raw,
        "prior_a": prior_a,
        "prior_b": prior_b,
        "hard_idx": hard_idx,
        "disc_idx": disc_idx,
    }


def _scatter(values, idx, n_vars):
    # torch: M[idx[:,0], idx[:,1]] = values  (scatter-overwrite into dense matrix)
    M = jnp.zeros((n_vars, n_vars), dtype=values.dtype)
    return M.at[idx[:, 0], idx[:, 1]].set(values)


def reference(theta_hard, w_disc, a_raw, b_raw, prior_a, prior_b, hard_idx, disc_idx):
    n_vars = N_VARS
    # hard_weights()
    hw = jax.nn.softplus(theta_hard)
    # weight_matrix()
    W = _scatter(hw, hard_idx, n_vars) + _scatter(w_disc, disc_idx, n_vars)
    # beta_ab() / edge_prob_mean()
    a = jax.nn.softplus(a_raw) + 0.001
    b = jax.nn.softplus(b_raw) + 0.001
    pi = a / (a + b)
    # expected_adjacency()
    A = _scatter(jnp.ones_like(theta_hard), hard_idx, n_vars) + _scatter(pi, disc_idx, n_vars)
    # effective_weights(A)
    eff = A * W
    # kl_divergence()
    lb_prior = gammaln(prior_a) + gammaln(prior_b) - gammaln(prior_a + prior_b)
    lb_post = gammaln(a) + gammaln(b) - gammaln(a + b)
    kl = (lb_prior - lb_post
          + (a - prior_a) * digamma(a)
          + (b - prior_b) * digamma(b)
          + (prior_a + prior_b - a - b) * digamma(a + b)).sum()
    return eff, kl

if __name__ == "__main__":
    import jax
    _d = setup_inputs()
    print(jax.jit(kernel)(*tuple(_d.values())))

</pallas_src>

<mosaic_0001>
#map = affine_map<(d0, d1) -> (0)>
module attributes {stable_mosaic.version = 14 : i64} {
  func.func @new_body(%arg0: i32, %arg1: i32, %arg2: memref<102400xi32, #tpu.memory_space<hbm>>, %arg3: memref<102400xi32, #tpu.memory_space<hbm>>, %arg4: memref<16777216xi32, #tpu.memory_space<hbm>>, %arg5: memref<16777216xi32, #tpu.memory_space<hbm>>, %arg6: memref<1600xi32, #tpu.memory_space<vmem>>, %arg7: memref<1600xi32, #tpu.memory_space<vmem>>, %arg8: memref<1600xi32, #tpu.memory_space<vmem>>, %arg9: memref<1600xi32, #tpu.memory_space<vmem>>, %arg10: memref<!tpu.dma_semaphore, #tpu.memory_space<semaphore_mem>>) attributes {dimension_semantics = [#tpu.dimension_semantics<core_parallel>, #tpu.dimension_semantics<subcore_parallel>], iteration_bounds = array<i64: 2, 16>, scalar_prefetch = 0 : i64, scratch_operands = 5 : i64, tpu.core_type = #tpu.core_type<sc_vector_subcore>, window_params = [{transform_indices = #map}, {transform_indices = #map}, {transform_indices = #map}, {transform_indices = #map}]} {
    %mul3A = arith.constant 2 : i32
    %mul3A_0 = arith.muli %arg1, %mul3A : i32
    %add3A = arith.addi %mul3A_0, %arg0 : i32
    %mul3A_1 = arith.constant 3200 : i32
    %mul3A_2 = arith.muli %add3A, %mul3A_1 : i32
    %multiple_of3A = tpu.assume_multiple %mul3A_2, 3200 : i32
    %add3A_3 = arith.constant 0 : i32
    %add3A_4 = arith.addi %multiple_of3A, %add3A_3 : i32
    "tpu.region"() ({
      %run_scoped3A = tpu.sem_alloc : memref<!tpu.dma_semaphore, #tpu.memory_space<semaphore_mem>>
      %dma_start3A_17 = tpu.memref_slice %arg2[%add3A_4] : memref<102400xi32, #tpu.memory_space<hbm>> -> memref<1600xi32, #tpu.memory_space<hbm>>
      %dma_start3A_18 = tpu.memref_slice %arg2[%add3A_4] : memref<102400xi32, #tpu.memory_space<hbm>> -> memref<1600xi32, #tpu.memory_space<hbm>>
      tpu.enqueue_dma source(%dma_start3A_18 : memref<1600xi32, #tpu.memory_space<hbm>>) target(%arg6 : memref<1600xi32, #tpu.memory_space<vmem>>) target_semaphore(%run_scoped3A : memref<!tpu.dma_semaphore, #tpu.memory_space<semaphore_mem>>)
      %dma_wait3A_19 = tpu.memref_slice %arg2[%add3A_4] : memref<102400xi32, #tpu.memory_space<hbm>> -> memref<1600xi32, #tpu.memory_space<hbm>>
      %dma_wait3A_20 = tpu.memref_slice %arg2[%add3A_4] : memref<102400xi32, #tpu.memory_space<hbm>> -> memref<1600xi32, #tpu.memory_space<hbm>>
      tpu.wait_dma2 semaphore(%run_scoped3A : memref<!tpu.dma_semaphore, #tpu.memory_space<semaphore_mem>>) src(%dma_wait3A_20 : memref<1600xi32, #tpu.memory_space<hbm>>) dst(%arg6 : memref<1600xi32, #tpu.memory_space<vmem>>)
      tpu.yield
    }) : () -> ()
    %add3A_5 = arith.constant 0 : i32
    %add3A_6 = arith.addi %multiple_of3A, %add3A_5 : i32
    "tpu.region"() ({
      %run_scoped3A = tpu.sem_alloc : memref<!tpu.dma_semaphore, #tpu.memory_space<semaphore_mem>>
      %dma_start3A_17 = tpu.memref_slice %arg3[%add3A_6] : memref<102400xi32, #tpu.memory_space<hbm>> -> memref<1600xi32, #tpu.memory_space<hbm>>
      %dma_start3A_18 = tpu.memref_slice %arg3[%add3A_6] : memref<102400xi32, #tpu.memory_space<hbm>> -> memref<1600xi32, #tpu.memory_space<hbm>>
      tpu.enqueue_dma source(%dma_start3A_18 : memref<1600xi32, #tpu.memory_space<hbm>>) target(%arg8 : memref<1600xi32, #tpu.memory_space<vmem>>) target_semaphore(%run_scoped3A : memref<!tpu.dma_semaphore, #tpu.memory_space<semaphore_mem>>)
      %dma_wait3A_19 = tpu.memref_slice %arg3[%add3A_6] : memref<102400xi32, #tpu.memory_space<hbm>> -> memref<1600xi32, #tpu.memory_space<hbm>>
      %dma_wait3A_20 = tpu.memref_slice %arg3[%add3A_6] : memref<102400xi32, #tpu.memory_space<hbm>> -> memref<1600xi32, #tpu.memory_space<hbm>>
      tpu.wait_dma2 semaphore(%run_scoped3A : memref<!tpu.dma_semaphore, #tpu.memory_space<semaphore_mem>>) src(%dma_wait3A_20 : memref<1600xi32, #tpu.memory_space<hbm>>) dst(%arg8 : memref<1600xi32, #tpu.memory_space<vmem>>)
      tpu.yield
    }) : () -> ()
    %add3A_7 = arith.constant 1600 : i32
    %add3A_8 = arith.addi %multiple_of3A, %add3A_7 : i32
    "tpu.region"() ({
      %run_scoped3A = tpu.sem_alloc : memref<!tpu.dma_semaphore, #tpu.memory_space<semaphore_mem>>
      %dma_start3A_17 = tpu.memref_slice %arg2[%add3A_8] : memref<102400xi32, #tpu.memory_space<hbm>> -> memref<1600xi32, #tpu.memory_space<hbm>>
      %dma_start3A_18 = tpu.memref_slice %arg2[%add3A_8] : memref<102400xi32, #tpu.memory_space<hbm>> -> memref<1600xi32, #tpu.memory_space<hbm>>
      tpu.enqueue_dma source(%dma_start3A_18 : memref<1600xi32, #tpu.memory_space<hbm>>) target(%arg7 : memref<1600xi32, #tpu.memory_space<vmem>>) target_semaphore(%run_scoped3A : memref<!tpu.dma_semaphore, #tpu.memory_space<semaphore_mem>>)
      %dma_wait3A_19 = tpu.memref_slice %arg2[%add3A_8] : memref<102400xi32, #tpu.memory_space<hbm>> -> memref<1600xi32, #tpu.memory_space<hbm>>
      %dma_wait3A_20 = tpu.memref_slice %arg2[%add3A_8] : memref<102400xi32, #tpu.memory_space<hbm>> -> memref<1600xi32, #tpu.memory_space<hbm>>
      tpu.wait_dma2 semaphore(%run_scoped3A : memref<!tpu.dma_semaphore, #tpu.memory_space<semaphore_mem>>) src(%dma_wait3A_20 : memref<1600xi32, #tpu.memory_space<hbm>>) dst(%arg7 : memref<1600xi32, #tpu.memory_space<vmem>>)
      tpu.yield
    }) : () -> ()
    %add3A_9 = arith.constant 1600 : i32
    %add3A_10 = arith.addi %multiple_of3A, %add3A_9 : i32
    "tpu.region"() ({
      %run_scoped3A = tpu.sem_alloc : memref<!tpu.dma_semaphore, #tpu.memory_space<semaphore_mem>>
      %dma_start3A_17 = tpu.memref_slice %arg3[%add3A_10] : memref<102400xi32, #tpu.memory_space<hbm>> -> memref<1600xi32, #tpu.memory_space<hbm>>
      %dma_start3A_18 = tpu.memref_slice %arg3[%add3A_10] : memref<102400xi32, #tpu.memory_space<hbm>> -> memref<1600xi32, #tpu.memory_space<hbm>>
      tpu.enqueue_dma source(%dma_start3A_18 : memref<1600xi32, #tpu.memory_space<hbm>>) target(%arg9 : memref<1600xi32, #tpu.memory_space<vmem>>) target_semaphore(%run_scoped3A : memref<!tpu.dma_semaphore, #tpu.memory_space<semaphore_mem>>)
      %dma_wait3A_19 = tpu.memref_slice %arg3[%add3A_10] : memref<102400xi32, #tpu.memory_space<hbm>> -> memref<1600xi32, #tpu.memory_space<hbm>>
      %dma_wait3A_20 = tpu.memref_slice %arg3[%add3A_10] : memref<102400xi32, #tpu.memory_space<hbm>> -> memref<1600xi32, #tpu.memory_space<hbm>>
      tpu.wait_dma2 semaphore(%run_scoped3A : memref<!tpu.dma_semaphore, #tpu.memory_space<semaphore_mem>>) src(%dma_wait3A_20 : memref<1600xi32, #tpu.memory_space<hbm>>) dst(%arg9 : memref<1600xi32, #tpu.memory_space<vmem>>)
      tpu.yield
    }) : () -> ()
    %dma_start3A = arith.constant 0 : i32
    %dma_start3A_11 = tpu.memref_slice %arg4[%dma_start3A] : memref<16777216xi32, #tpu.memory_space<hbm>> -> memref<16777216xi32, #tpu.memory_space<hbm>>
    tpu.enqueue_indirect_dma source(%arg8 : memref<1600xi32, #tpu.memory_space<vmem>>) target(%dma_start3A_11 : memref<16777216xi32, #tpu.memory_space<hbm>>) offsets(%arg6 : memref<1600xi32, #tpu.memory_space<vmem>>) semaphore(%arg10 : memref<!tpu.dma_semaphore, #tpu.memory_space<semaphore_mem>>)
    %dma_start3A_12 = arith.constant 0 : i32
    %dma_start3A_13 = tpu.memref_slice %arg4[%dma_start3A_12] : memref<16777216xi32, #tpu.memory_space<hbm>> -> memref<16777216xi32, #tpu.memory_space<hbm>>
    tpu.enqueue_indirect_dma source(%arg9 : memref<1600xi32, #tpu.memory_space<vmem>>) target(%dma_start3A_13 : memref<16777216xi32, #tpu.memory_space<hbm>>) offsets(%arg7 : memref<1600xi32, #tpu.memory_space<vmem>>) semaphore(%arg10 : memref<!tpu.dma_semaphore, #tpu.memory_space<semaphore_mem>>)
    %dma_wait3A = arith.constant 0 : i32
    %dma_wait3A_14 = tpu.memref_slice %arg4[%dma_wait3A] : memref<16777216xi32, #tpu.memory_space<hbm>> -> memref<16777216xi32, #tpu.memory_space<hbm>>
    tpu.wait_indirect_dma semaphore(%arg10 : memref<!tpu.dma_semaphore, #tpu.memory_space<semaphore_mem>>) src(%arg8 : memref<1600xi32, #tpu.memory_space<vmem>>) dst(%dma_wait3A_14 : memref<16777216xi32, #tpu.memory_space<hbm>>)
    %dma_wait3A_15 = arith.constant 0 : i32
    %dma_wait3A_16 = tpu.memref_slice %arg4[%dma_wait3A_15] : memref<16777216xi32, #tpu.memory_space<hbm>> -> memref<16777216xi32, #tpu.memory_space<hbm>>
    tpu.wait_indirect_dma semaphore(%arg10 : memref<!tpu.dma_semaphore, #tpu.memory_space<semaphore_mem>>) src(%arg9 : memref<1600xi32, #tpu.memory_space<vmem>>) dst(%dma_wait3A_16 : memref<16777216xi32, #tpu.memory_space<hbm>>)
    return
  }
}

#map = affine_map<(d0, d1) -> (0)>
module attributes {stable_mosaic.version = 14 : i64} {
  func.func @new_body(%arg0: i32, %arg1: i32, %arg2: memref<65536xi32, #tpu.memory_space<hbm>>, %arg3: memref<65536xf32, #tpu.memory_space<hbm>>, %arg4: memref<16777216xf32, #tpu.memory_space<hbm>>, %arg5: memref<16777216xf32, #tpu.memory_space<hbm>>, %arg6: memref<1024xi32, #tpu.memory_space<vmem>>, %arg7: memref<1024xi32, #tpu.memory_space<vmem>>, %arg8: memref<1024xf32, #tpu.memory_space<vmem>>, %arg9: memref<1024xf32, #tpu.memory_space<vmem>>, %arg10: memref<!tpu.dma_semaphore, #tpu.memory_space<semaphore_mem>>) attributes {dimension_semantics = [#tpu.dimension_semantics<core_parallel>, #tpu.dimension_semantics<subcore_parallel>], iteration_bounds = array<i64: 2, 16>, scalar_prefetch = 0 : i64, scratch_operands = 5 : i64, tpu.core_type = #tpu.core_type<sc_vector_subcore>, window_params = [{transform_indices = #map}, {transform_indices = #map}, {transform_indices = #map}, {transform_indices = #map}]} {
    %mul3A = arith.constant 2 : i32
    %mul3A_0 = arith.muli %arg1, %mul3A : i32
    %add3A = arith.addi %mul3A_0, %arg0 : i32
    %mul3A_1 = arith.constant 2048 : i32
    %mul3A_2 = arith.muli %add3A, %mul3A_1 : i32
    %multiple_of3A = tpu.assume_multiple %mul3A_2, 2048 : i32
    %add3A_3 = arith.constant 0 : i32
    %add3A_4 = arith.addi %multiple_of3A, %add3A_3 : i32
    "tpu.region"() ({
      %run_scoped3A = tpu.sem_alloc : memref<!tpu.dma_semaphore, #tpu.memory_space<semaphore_mem>>
      %dma_start3A_17 = tpu.memref_slice %arg2[%add3A_4] : memref<65536xi32, #tpu.memory_space<hbm>> -> memref<1024xi32, #tpu.memory_space<hbm>>
      %dma_start3A_18 = tpu.memref_slice %arg2[%add3A_4] : memref<65536xi32, #tpu.memory_space<hbm>> -> memref<1024xi32, #tpu.memory_space<hbm>>
      tpu.enqueue_dma source(%dma_start3A_18 : memref<1024xi32, #tpu.memory_space<hbm>>) target(%arg6 : memref<1024xi32, #tpu.memory_space<vmem>>) target_semaphore(%run_scoped3A : memref<!tpu.dma_semaphore, #tpu.memory_space<semaphore_mem>>)
      %dma_wait3A_19 = tpu.memref_slice %arg2[%add3A_4] : memref<65536xi32, #tpu.memory_space<hbm>> -> memref<1024xi32, #tpu.memory_space<hbm>>
      %dma_wait3A_20 = tpu.memref_slice %arg2[%add3A_4] : memref<65536xi32, #tpu.memory_space<hbm>> -> memref<1024xi32, #tpu.memory_space<hbm>>
      tpu.wait_dma2 semaphore(%run_scoped3A : memref<!tpu.dma_semaphore, #tpu.memory_space<semaphore_mem>>) src(%dma_wait3A_20 : memref<1024xi32, #tpu.memory_space<hbm>>) dst(%arg6 : memref<1024xi32, #tpu.memory_space<vmem>>)
      tpu.yield
    }) : () -> ()
    %add3A_5 = arith.constant 0 : i32
    %add3A_6 = arith.addi %multiple_of3A, %add3A_5 : i32
    "tpu.region"() ({
      %run_scoped3A = tpu.sem_alloc : memref<!tpu.dma_semaphore, #tpu.memory_space<semaphore_mem>>
      %dma_start3A_17 = tpu.memref_slice %arg3[%add3A_6] : memref<65536xf32, #tpu.memory_space<hbm>> -> memref<1024xf32, #tpu.memory_space<hbm>>
      %dma_start3A_18 = tpu.memref_slice %arg3[%add3A_6] : memref<65536xf32, #tpu.memory_space<hbm>> -> memref<1024xf32, #tpu.memory_space<hbm>>
      tpu.enqueue_dma source(%dma_start3A_18 : memref<1024xf32, #tpu.memory_space<hbm>>) target(%arg8 : memref<1024xf32, #tpu.memory_space<vmem>>) target_semaphore(%run_scoped3A : memref<!tpu.dma_semaphore, #tpu.memory_space<semaphore_mem>>)
      %dma_wait3A_19 = tpu.memref_slice %arg3[%add3A_6] : memref<65536xf32, #tpu.memory_space<hbm>> -> memref<1024xf32, #tpu.memory_space<hbm>>
      %dma_wait3A_20 = tpu.memref_slice %arg3[%add3A_6] : memref<65536xf32, #tpu.memory_space<hbm>> -> memref<1024xf32, #tpu.memory_space<hbm>>
      tpu.wait_dma2 semaphore(%run_scoped3A : memref<!tpu.dma_semaphore, #tpu.memory_space<semaphore_mem>>) src(%dma_wait3A_20 : memref<1024xf32, #tpu.memory_space<hbm>>) dst(%arg8 : memref<1024xf32, #tpu.memory_space<vmem>>)
      tpu.yield
    }) : () -> ()
    %add3A_7 = arith.constant 1024 : i32
    %add3A_8 = arith.addi %multiple_of3A, %add3A_7 : i32
    "tpu.region"() ({
      %run_scoped3A = tpu.sem_alloc : memref<!tpu.dma_semaphore, #tpu.memory_space<semaphore_mem>>
      %dma_start3A_17 = tpu.memref_slice %arg2[%add3A_8] : memref<65536xi32, #tpu.memory_space<hbm>> -> memref<1024xi32, #tpu.memory_space<hbm>>
      %dma_start3A_18 = tpu.memref_slice %arg2[%add3A_8] : memref<65536xi32, #tpu.memory_space<hbm>> -> memref<1024xi32, #tpu.memory_space<hbm>>
      tpu.enqueue_dma source(%dma_start3A_18 : memref<1024xi32, #tpu.memory_space<hbm>>) target(%arg7 : memref<1024xi32, #tpu.memory_space<vmem>>) target_semaphore(%run_scoped3A : memref<!tpu.dma_semaphore, #tpu.memory_space<semaphore_mem>>)
      %dma_wait3A_19 = tpu.memref_slice %arg2[%add3A_8] : memref<65536xi32, #tpu.memory_space<hbm>> -> memref<1024xi32, #tpu.memory_space<hbm>>
      %dma_wait3A_20 = tpu.memref_slice %arg2[%add3A_8] : memref<65536xi32, #tpu.memory_space<hbm>> -> memref<1024xi32, #tpu.memory_space<hbm>>
      tpu.wait_dma2 semaphore(%run_scoped3A : memref<!tpu.dma_semaphore, #tpu.memory_space<semaphore_mem>>) src(%dma_wait3A_20 : memref<1024xi32, #tpu.memory_space<hbm>>) dst(%arg7 : memref<1024xi32, #tpu.memory_space<vmem>>)
      tpu.yield
    }) : () -> ()
    %add3A_9 = arith.constant 1024 : i32
    %add3A_10 = arith.addi %multiple_of3A, %add3A_9 : i32
    "tpu.region"() ({
      %run_scoped3A = tpu.sem_alloc : memref<!tpu.dma_semaphore, #tpu.memory_space<semaphore_mem>>
      %dma_start3A_17 = tpu.memref_slice %arg3[%add3A_10] : memref<65536xf32, #tpu.memory_space<hbm>> -> memref<1024xf32, #tpu.memory_space<hbm>>
      %dma_start3A_18 = tpu.memref_slice %arg3[%add3A_10] : memref<65536xf32, #tpu.memory_space<hbm>> -> memref<1024xf32, #tpu.memory_space<hbm>>
      tpu.enqueue_dma source(%dma_start3A_18 : memref<1024xf32, #tpu.memory_space<hbm>>) target(%arg9 : memref<1024xf32, #tpu.memory_space<vmem>>) target_semaphore(%run_scoped3A : memref<!tpu.dma_semaphore, #tpu.memory_space<semaphore_mem>>)
      %dma_wait3A_19 = tpu.memref_slice %arg3[%add3A_10] : memref<65536xf32, #tpu.memory_space<hbm>> -> memref<1024xf32, #tpu.memory_space<hbm>>
      %dma_wait3A_20 = tpu.memref_slice %arg3[%add3A_10] : memref<65536xf32, #tpu.memory_space<hbm>> -> memref<1024xf32, #tpu.memory_space<hbm>>
      tpu.wait_dma2 semaphore(%run_scoped3A : memref<!tpu.dma_semaphore, #tpu.memory_space<semaphore_mem>>) src(%dma_wait3A_20 : memref<1024xf32, #tpu.memory_space<hbm>>) dst(%arg9 : memref<1024xf32, #tpu.memory_space<vmem>>)
      tpu.yield
    }) : () -> ()
    %dma_start3A = arith.constant 0 : i32
    %dma_start3A_11 = tpu.memref_slice %arg4[%dma_start3A] : memref<16777216xf32, #tpu.memory_space<hbm>> -> memref<16777216xf32, #tpu.memory_space<hbm>>
    tpu.enqueue_indirect_dma source(%arg8 : memref<1024xf32, #tpu.memory_space<vmem>>) target(%dma_start3A_11 : memref<16777216xf32, #tpu.memory_space<hbm>>) offsets(%arg6 : memref<1024xi32, #tpu.memory_space<vmem>>) semaphore(%arg10 : memref<!tpu.dma_semaphore, #tpu.memory_space<semaphore_mem>>)
    %dma_start3A_12 = arith.constant 0 : i32
    %dma_start3A_13 = tpu.memref_slice %arg4[%dma_start3A_12] : memref<16777216xf32, #tpu.memory_space<hbm>> -> memref<16777216xf32, #tpu.memory_space<hbm>>
    tpu.enqueue_indirect_dma source(%arg9 : memref<1024xf32, #tpu.memory_space<vmem>>) target(%dma_start3A_13 : memref<16777216xf32, #tpu.memory_space<hbm>>) offsets(%arg7 : memref<1024xi32, #tpu.memory_space<vmem>>) semaphore(%arg10 : memref<!tpu.dma_semaphore, #tpu.memory_space<semaphore_mem>>)
    %dma_wait3A = arith.constant 0 : i32
    %dma_wait3A_14 = tpu.memref_slice %arg4[%dma_wait3A] : memref<16777216xf32, #tpu.memory_space<hbm>> -> memref<16777216xf32, #tpu.memory_space<hbm>>
    tpu.wait_indirect_dma semaphore(%arg10 : memref<!tpu.dma_semaphore, #tpu.memory_space<semaphore_mem>>) src(%arg8 : memref<1024xf32, #tpu.memory_space<vmem>>) dst(%dma_wait3A_14 : memref<16777216xf32, #tpu.memory_space<hbm>>)
    %dma_wait3A_15 = arith.constant 0 : i32
    %dma_wait3A_16 = tpu.memref_slice %arg4[%dma_wait3A_15] : memref<16777216xf32, #tpu.memory_space<hbm>> -> memref<16777216xf32, #tpu.memory_space<hbm>>
    tpu.wait_indirect_dma semaphore(%arg10 : memref<!tpu.dma_semaphore, #tpu.memory_space<semaphore_mem>>) src(%arg9 : memref<1024xf32, #tpu.memory_space<vmem>>) dst(%dma_wait3A_16 : memref<16777216xf32, #tpu.memory_space<hbm>>)
    return
  }
}

module attributes {stable_mosaic.version = 14 : i64} {
  func.func @_prep_body(%arg0: memref<512x128xf32, #tpu.memory_space<vmem>>, %arg1: memref<800x128xf32, #tpu.memory_space<vmem>>, %arg2: memref<800x128xf32, #tpu.memory_space<vmem>>, %arg3: memref<800x128xf32, #tpu.memory_space<vmem>>, %arg4: memref<512x128xi32, #tpu.memory_space<vmem>>, %arg5: memref<512x128xi32, #tpu.memory_space<vmem>>, %arg6: memref<800x128xi32, #tpu.memory_space<vmem>>, %arg7: memref<800x128xi32, #tpu.memory_space<vmem>>, %arg8: memref<512x128xf32, #tpu.memory_space<vmem>>, %arg9: memref<800x128xi32, #tpu.memory_space<vmem>>, %arg10: memref<512x128xi32, #tpu.memory_space<vmem>>, %arg11: memref<800x128xi32, #tpu.memory_space<vmem>>) attributes {dimension_semantics = [], scalar_prefetch = 0 : i64, scratch_operands = 0 : i64, tpu.core_type = #tpu.core_type<tc>} {
    %get3A = arith.constant 0 : index
    %get3A_0 = arith.constant 0 : index
    %get3A_1 = vector.load %arg0[%get3A, %get3A_0] : memref<512x128xf32, #tpu.memory_space<vmem>>, vector<512x128xf32>
    %max3A = arith.constant 0.000000e+00 : f32
    %max3A_2 = vector.broadcast %max3A : f32 to vector<512x128xf32>
    %max3A_3 = arith.maximumf %get3A_1, %max3A_2 : vector<512x128xf32>
    %abs3A = math.absf %get3A_1 : vector<512x128xf32>
    %neg3A = arith.constant 0.000000e+00 : f32
    %neg3A_4 = vector.broadcast %neg3A : f32 to vector<512x128xf32>
    %neg3A_5 = arith.subf %neg3A_4, %abs3A : vector<512x128xf32>
    %exp3A = math.exp %neg3A_5 : vector<512x128xf32>
    %log1p3A = math.log1p %exp3A : vector<512x128xf32>
    %add3A = arith.addf %max3A_3, %log1p3A : vector<512x128xf32>
    %swap3A = arith.constant 0 : index
    %swap3A_6 = arith.constant 0 : index
    %swap3A_7 = vector.load %arg8[%swap3A, %swap3A_6] : memref<512x128xf32, #tpu.memory_space<vmem>>, vector<512x128xf32>
    tpu.vector_store %arg8[%swap3A, %swap3A_6], %add3A {strides = array<i32>} : memref<512x128xf32, #tpu.memory_space<vmem>>, vector<512x128xf32>,
    %get3A_8 = arith.constant 0 : index
    %get3A_9 = arith.constant 0 : index
    %get3A_10 = vector.load %arg1[%get3A_8, %get3A_9] : memref<800x128xf32, #tpu.memory_space<vmem>>, vector<800x128xf32>
    %max3A_11 = arith.constant 0.000000e+00 : f32
    %max3A_12 = vector.broadcast %max3A_11 : f32 to vector<800x128xf32>
    %max3A_13 = arith.maximumf %get3A_10, %max3A_12 : vector<800x128xf32>
    %abs3A_14 = math.absf %get3A_10 : vector<800x128xf32>
    %neg3A_15 = arith.constant 0.000000e+00 : f32
    %neg3A_16 = vector.broadcast %neg3A_15 : f32 to vector<800x128xf32>
    %neg3A_17 = arith.subf %neg3A_16, %abs3A_14 : vector<800x128xf32>
    %exp3A_18 = math.exp %neg3A_17 : vector<800x128xf32>
    %log1p3A_19 = math.log1p %exp3A_18 : vector<800x128xf32>
    %add3A_20 = arith.addf %max3A_13, %log1p3A_19 : vector<800x128xf32>
    %add3A_21 = arith.constant 1.000000e-03 : f32
    %add3A_22 = vector.broadcast %add3A_21 : f32 to vector<800x128xf32>
    %add3A_23 = arith.addf %add3A_20, %add3A_22 : vector<800x128xf32>
    %get3A_24 = arith.constant 0 : index
    %get3A_25 = arith.constant 0 : index
    %get3A_26 = vector.load %arg2[%get3A_24, %get3A_25] : memref<800x128xf32, #tpu.memory_space<vmem>>, vector<800x128xf32>
    %max3A_27 = arith.constant 0.000000e+00 : f32
    %max3A_28 = vector.broadcast %max3A_27 : f32 to vector<800x128xf32>
    %max3A_29 = arith.maximumf %get3A_26, %max3A_28 : vector<800x128xf32>
    %abs3A_30 = math.absf %get3A_26 : vector<800x128xf32>
    %neg3A_31 = arith.constant 0.000000e+00 : f32
    %neg3A_32 = vector.broadcast %neg3A_31 : f32 to vector<800x128xf32>
    %neg3A_33 = arith.subf %neg3A_32, %abs3A_30 : vector<800x128xf32>
    %exp3A_34 = math.exp %neg3A_33 : vector<800x128xf32>
    %log1p3A_35 = math.log1p %exp3A_34 : vector<800x128xf32>
    %add3A_36 = arith.addf %max3A_29, %log1p3A_35 : vector<800x128xf32>
    %add3A_37 = arith.constant 1.000000e-03 : f32
    %add3A_38 = vector.broadcast %add3A_37 : f32 to vector<800x128xf32>
    %add3A_39 = arith.addf %add3A_36, %add3A_38 : vector<800x128xf32>
    %add3A_40 = arith.addf %add3A_23, %add3A_39 : vector<800x128xf32>
    %div3A = arith.divf %add3A_23, %add3A_40 : vector<800x128xf32>
    %get3A_41 = arith.constant 0 : index
    %get3A_42 = arith.constant 0 : index
    %get3A_43 = vector.load %arg4[%get3A_41, %get3A_42] : memref<512x128xi32, #tpu.memory_space<vmem>>, vector<512x128xi32>
    %get3A_44 = arith.constant 0 : index
    %get3A_45 = arith.constant 0 : index
    %get3A_46 = vector.load %arg5[%get3A_44, %get3A_45] : memref<512x128xi32, #tpu.memory_space<vmem>>, vector<512x128xi32>
    %shift_right_arithmetic3A = arith.constant 3 : i32
    %shift_right_arithmetic3A_47 = vector.broadcast %shift_right_arithmetic3A : i32 to vector<512x128xi32>
    %shift_right_arithmetic3A_48 = arith.shrsi %get3A_43, %shift_right_arithmetic3A_47 : vector<512x128xi32>
    %mul3A = arith.constant 32 : i32
    %mul3A_49 = vector.broadcast %mul3A : i32 to vector<512x128xi32>
    %mul3A_50 = arith.muli %shift_right_arithmetic3A_48, %mul3A_49 : vector<512x128xi32>
    %shift_right_arithmetic3A_51 = arith.constant 7 : i32
    %shift_right_arithmetic3A_52 = vector.broadcast %shift_right_arithmetic3A_51 : i32 to vector<512x128xi32>
    %shift_right_arithmetic3A_53 = arith.shrsi %get3A_46, %shift_right_arithmetic3A_52 : vector<512x128xi32>
    %add3A_54 = arith.addi %mul3A_50, %shift_right_arithmetic3A_53 : vector<512x128xi32>
    %mul3A_55 = arith.constant 1024 : i32
    %mul3A_56 = vector.broadcast %mul3A_55 : i32 to vector<512x128xi32>
    %mul3A_57 = arith.muli %add3A_54, %mul3A_56 : vector<512x128xi32>
    %and3A = arith.constant 7 : i32
    %and3A_58 = vector.broadcast %and3A : i32 to vector<512x128xi32>
    %and3A_59 = arith.andi %get3A_43, %and3A_58 : vector<512x128xi32>
    %mul3A_60 = arith.constant 128 : i32
    %mul3A_61 = vector.broadcast %mul3A_60 : i32 to vector<512x128xi32>
    %mul3A_62 = arith.muli %and3A_59, %mul3A_61 : vector<512x128xi32>
    %add3A_63 = arith.addi %mul3A_57, %mul3A_62 : vector<512x128xi32>
    %and3A_64 = arith.constant 127 : i32
    %and3A_65 = vector.broadcast %and3A_64 : i32 to vector<512x128xi32>
    %and3A_66 = arith.andi %get3A_46, %and3A_65 : vector<512x128xi32>
    %add3A_67 = arith.addi %add3A_63, %and3A_66 : vector<512x128xi32>
    %swap3A_68 = arith.constant 0 : index
    %swap3A_69 = arith.constant 0 : index
    %swap3A_70 = vector.load %arg10[%swap3A_68, %swap3A_69] : memref<512x128xi32, #tpu.memory_space<vmem>>, vector<512x128xi32>
    tpu.vector_store %arg10[%swap3A_68, %swap3A_69], %add3A_67 {strides = array<i32>} : memref<512x128xi32, #tpu.memory_space<vmem>>, vector<512x128xi32>,
    %get3A_71 = arith.constant 0 : index
    %get3A_72 = arith.constant 0 : index
    %get3A_73 = vector.load %arg6[%get3A_71, %get3A_72] : memref<800x128xi32, #tpu.memory_space<vmem>>, vector<800x128xi32>
    %get3A_74 = arith.constant 0 : index
    %get3A_75 = arith.constant 0 : index
    %get3A_76 = vector.load %arg7[%get3A_74, %get3A_75] : memref<800x128xi32, #tpu.memory_space<vmem>>, vector<800x128xi32>
    %shift_right_arithmetic3A_77 = arith.constant 3 : i32
    %shift_right_arithmetic3A_78 = vector.broadcast %shift_right_arithmetic3A_77 : i32 to vector<800x128xi32>
    %shift_right_arithmetic3A_79 = arith.shrsi %get3A_73, %shift_right_arithmetic3A_78 : vector<800x128xi32>
    %mul3A_80 = arith.constant 32 : i32
    %mul3A_81 = vector.broadcast %mul3A_80 : i32 to vector<800x128xi32>
    %mul3A_82 = arith.muli %shift_right_arithmetic3A_79, %mul3A_81 : vector<800x128xi32>
    %shift_right_arithmetic3A_83 = arith.constant 7 : i32
    %shift_right_arithmetic3A_84 = vector.broadcast %shift_right_arithmetic3A_83 : i32 to vector<800x128xi32>
    %shift_right_arithmetic3A_85 = arith.shrsi %get3A_76, %shift_right_arithmetic3A_84 : vector<800x128xi32>
    %add3A_86 = arith.addi %mul3A_82, %shift_right_arithmetic3A_85 : vector<800x128xi32>
    %mul3A_87 = arith.constant 1024 : i32
    %mul3A_88 = vector.broadcast %mul3A_87 : i32 to vector<800x128xi32>
    %mul3A_89 = arith.muli %add3A_86, %mul3A_88 : vector<800x128xi32>
    %and3A_90 = arith.constant 7 : i32
    %and3A_91 = vector.broadcast %and3A_90 : i32 to vector<800x128xi32>
    %and3A_92 = arith.andi %get3A_73, %and3A_91 : vector<800x128xi32>
    %mul3A_93 = arith.constant 128 : i32
    %mul3A_94 = vector.broadcast %mul3A_93 : i32 to vector<800x128xi32>
    %mul3A_95 = arith.muli %and3A_92, %mul3A_94 : vector<800x128xi32>
    %add3A_96 = arith.addi %mul3A_89, %mul3A_95 : vector<800x128xi32>
    %and3A_97 = arith.constant 127 : i32
    %and3A_98 = vector.broadcast %and3A_97 : i32 to vector<800x128xi32>
    %and3A_99 = arith.andi %get3A_76, %and3A_98 : vector<800x128xi32>
    %add3A_100 = arith.addi %add3A_96, %and3A_99 : vector<800x128xi32>
    %swap3A_101 = arith.constant 0 : index
    %swap3A_102 = arith.constant 0 : index
    %swap3A_103 = vector.load %arg11[%swap3A_101, %swap3A_102] : memref<800x128xi32, #tpu.memory_space<vmem>>, vector<800x128xi32>
    tpu.vector_store %arg11[%swap3A_101, %swap3A_102], %add3A_100 {strides = array<i32>} : memref<800x128xi32, #tpu.memory_space<vmem>>, vector<800x128xi32>,
    %get3A_104 = arith.constant 0 : index
    %get3A_105 = arith.constant 0 : index
    %get3A_106 = vector.load %arg3[%get3A_104, %get3A_105] : memref<800x128xf32, #tpu.memory_space<vmem>>, vector<800x128xf32>
    %bitcast_convert_type3A = tpu.bitcast %get3A_106 : vector<800x128xf32> -> vector<800x128xi32>
    %add3A_107 = arith.constant 32768 : i32
    %add3A_108 = vector.broadcast %add3A_107 : i32 to vector<800x128xi32>
    %add3A_109 = arith.addi %bitcast_convert_type3A, %add3A_108 : vector<800x128xi32>
    %bitcast_convert_type3A_110 = tpu.bitcast %div3A : vector<800x128xf32> -> vector<800x128xi32>
    %add3A_111 = arith.constant 32768 : i32
    %add3A_112 = vector.broadcast %add3A_111 : i32 to vector<800x128xi32>
    %add3A_113 = arith.addi %bitcast_convert_type3A_110, %add3A_112 : vector<800x128xi32>
    %and3A_114 = arith.constant -65536 : i32
    %and3A_115 = vector.broadcast %and3A_114 : i32 to vector<800x128xi32>
    %and3A_116 = arith.andi %add3A_113, %and3A_115 : vector<800x128xi32>
    %shift_right_logical3A = arith.constant 16 : i32
    %shift_right_logical3A_117 = vector.broadcast %shift_right_logical3A : i32 to vector<800x128xi32>
    %shift_right_logical3A_118 = arith.shrui %add3A_109, %shift_right_logical3A_117 : vector<800x128xi32>
    %or3A = arith.ori %and3A_116, %shift_right_logical3A_118 : vector<800x128xi32>
    %bitcast_convert_type3A_119 = tpu.bitcast %or3A : vector<800x128xi32> -> vector<800x128xi32>
    %swap3A_120 = arith.constant 0 : index
    %swap3A_121 = arith.constant 0 : index
    %swap3A_122 = vector.load %arg9[%swap3A_120, %swap3A_121] : memref<800x128xi32, #tpu.memory_space<vmem>>, vector<800x128xi32>
    tpu.vector_store %arg9[%swap3A_120, %swap3A_121], %bitcast_convert_type3A_119 {strides = array<i32>} : memref<800x128xi32, #tpu.memory_space<vmem>>, vector<800x128xi32>,
    return
  }
}

module attributes {stable_mosaic.version = 14 : i64} {
  func.func @_mul_body(%arg0: i32, %arg1: memref<1048576xf32, #tpu.memory_space<vmem>>, %arg2: memref<1048576xi32, #tpu.memory_space<vmem>>, %arg3: memref<800x128xf32, #tpu.memory_space<vmem>>, %arg4: memref<256x4096xf32, #tpu.memory_space<vmem>>, %arg5: memref<1xf32, #tpu.memory_space<smem>>) attributes {dimension_semantics = [#tpu.dimension_semantics<arbitrary>], iteration_bounds = array<i64: 16>, scalar_prefetch = 0 : i64, scratch_operands = 0 : i64, tpu.core_type = #tpu.core_type<tc>, window_params = [{transform_indices = @transform_0, window_bounds = array<i64: 1048576>}, {transform_indices = @transform_1, window_bounds = array<i64: 1048576>}, {pipeline_mode = #tpu.pipeline_mode<synchronous>, transform_indices = @transform_2, window_bounds = array<i64: 800, 128>}, {transform_indices = @transform_3, window_bounds = array<i64: 256, 4096>}, {transform_indices = @transform_4, window_bounds = array<i64: 1>}]} {
    %get3A = arith.constant 0 : index
    %get3A_0 = vector.load %arg1[%get3A] : memref<1048576xf32, #tpu.memory_space<vmem>>, vector<1048576xf32>
    %get3A_1 = arith.constant 0 : index
    %get3A_2 = vector.load %arg2[%get3A_1] : memref<1048576xi32, #tpu.memory_space<vmem>>, vector<1048576xi32>
    %shift_left3A = arith.constant 16 : i32
    %shift_left3A_3 = vector.broadcast %shift_left3A : i32 to vector<1048576xi32>
    %shift_left3A_4 = arith.shli %get3A_2, %shift_left3A_3 : vector<1048576xi32>
    %bitcast_convert_type3A = tpu.bitcast %shift_left3A_4 : vector<1048576xi32> -> vector<1048576xf32>
    %and3A = arith.constant -65536 : i32
    %and3A_5 = vector.broadcast %and3A : i32 to vector<1048576xi32>
    %and3A_6 = arith.andi %get3A_2, %and3A_5 : vector<1048576xi32>
    %bitcast_convert_type3A_7 = tpu.bitcast %and3A_6 : vector<1048576xi32> -> vector<1048576xf32>
    %ne3A = arith.constant 0.000000e+00 : f32
    %ne3A_8 = vector.broadcast %ne3A : f32 to vector<1048576xf32>
    %ne3A_9 = arith.cmpf one, %get3A_0, %ne3A_8 : vector<1048576xf32>
    %jit3A = arith.constant 1.000000e+00 : f32
    %jit3A_10 = arith.constant 0.000000e+00 : f32
    %broadcast_in_dim3A = vector.broadcast %jit3A : f32 to vector<1048576xf32>
    %broadcast_in_dim3A_11 = vector.broadcast %jit3A_10 : f32 to vector<1048576xf32>
    %select_n3A = arith.select %ne3A_9, %broadcast_in_dim3A, %broadcast_in_dim3A_11 : vector<1048576xi1>, vector<1048576xf32>
    %add3A = arith.addf %select_n3A, %bitcast_convert_type3A_7 : vector<1048576xf32>
    %add3A_12 = arith.addf %get3A_0, %bitcast_convert_type3A : vector<1048576xf32>
    %mul3A = arith.mulf %add3A, %add3A_12 : vector<1048576xf32>
    %reshape3A = vector.shape_cast %mul3A : vector<1048576xf32> to vector<32x32x8x128xf32>
    %transpose3A = tpu.transpose %reshape3A, [0, 2, 1, 3] : vector<32x32x8x128xf32> -> vector<32x8x32x128xf32>
    %reshape3A_13 = vector.shape_cast %transpose3A : vector<32x8x32x128xf32> to vector<256x4096xf32>
    %swap3A = arith.constant 0 : index
    %swap3A_14 = arith.constant 0 : index
    %swap3A_15 = vector.load %arg4[%swap3A, %swap3A_14] : memref<256x4096xf32, #tpu.memory_space<vmem>>, vector<256x4096xf32>
    tpu.vector_store %arg4[%swap3A, %swap3A_14], %reshape3A_13 {strides = array<i32>} : memref<256x4096xf32, #tpu.memory_space<vmem>>, vector<256x4096xf32>,
    %eq3A = arith.constant 0 : i32
    %eq3A_16 = arith.cmpi eq, %arg0, %eq3A : i32
    %convert_element_type3A = arith.extui %eq3A_16 : i1 to i32
    %cond3A = arith.constant 0 : i32
    %cond3A_17 = arith.cmpi ne, %convert_element_type3A, %cond3A : i32
    scf.if %cond3A_17 {
      %get3A_18 = arith.constant 0 : index
      %get3A_19 = arith.constant 0 : index
      %get3A_20 = vector.load %arg3[%get3A_18, %get3A_19] : memref<800x128xf32, #tpu.memory_space<vmem>>, vector<800x128xf32>
      %reduce_sum3A = vector.shape_cast %get3A_20 : vector<800x128xf32> to vector<1x800x128xf32>
      %reduce_sum3A_21 = arith.constant dense<0.000000e+00> : vector<1xf32>
      %reduce_sum3A_22 = vector.multi_reduction <add>, %reduce_sum3A, %reduce_sum3A_21 [1, 2] : vector<1x800x128xf32> to vector<1xf32>
      %reduce_sum3A_23 = vector.shape_cast %reduce_sum3A_22 : vector<1xf32> to vector<1x1x1xf32>
      %reduce_sum3A_24 = vector.extract %reduce_sum3A_23[0, 0, 0] : f32 from vector<1x1x1xf32>
      %swap3A_25 = arith.constant 0 : index
      %swap3A_26 = memref.load %arg5[%swap3A_25] : memref<1xf32, #tpu.memory_space<smem>>
      memref.store %reduce_sum3A_24, %arg5[%swap3A_25] : memref<1xf32, #tpu.memory_space<smem>>
    } else {
    }
    return
  }
  func.func @transform_0(%arg0: i32) -> i32 {
    %c0_i32 = arith.constant 0 : i32
    return %arg0 : i32
  }
  func.func @transform_1(%arg0: i32) -> i32 {
    %c0_i32 = arith.constant 0 : i32
    return %arg0 : i32
  }
  func.func @transform_2(%arg0: i32) -> (i32, i32) {
    %c0_i32 = arith.constant 0 : i32
    %c0_i32_0 = arith.constant 0 : i32
    %c0_i32_1 = arith.constant 0 : i32
    return %c0_i32, %c0_i32_0 : i32, i32
  }
  func.func @transform_3(%arg0: i32) -> (i32, i32) {
    %c0_i32 = arith.constant 0 : i32
    %c0_i32_0 = arith.constant 0 : i32
    return %arg0, %c0_i32 : i32, i32
  }
  func.func @transform_4(%arg0: i32) -> i32 {
    %c0_i32 = arith.constant 0 : i32
    %c0_i32_0 = arith.constant 0 : i32
    return %c0_i32 : i32
  }
}

</mosaic_0001>

<sc_bundles>
// kernel: kernel.6.cloned.1.call-start
scs
__scs_entry_jumppad:
0x0: {  	(pc) =	sbr.rel $0x88, $3  }
0x1: {  	(tag) =	ssettag $0x0;
	lr =	simm.s32 $0x1  }
0x2: {  	[smem:$0x3F99] =	sst lr;
	_ =	strace $0xD0000000  }
0x3: {  	_ = 	snop  }
0x4: {  	_ = 	snop  }
0x5: {  	_ = 	snop  }
0x6: {  	_ = 	snop  }
0x7: {  	_ = 	snop  }
__scs_overlays_trampoline_lowered:
0x8: {  	[smem:$0x3FA8] =	sst s0  }
0x9: {  	[smem:$0x3FA9] =	sst s1  }
0xa: {  	[smem:$0x3FAA] =	sst s2  }
0xb: {  	[smem:$0x3FAB] =	sst s3  }
0xc: {  	[smem:$0x3FAC] =	sst s4  }
0xd: {  	[smem:$0x3FAD] =	sst s5  }
0xe: {  	[smem:$0x3FAE] =	sst s6  }
0xf: {  	[smem:$0x3FAF] =	sst s7  }
0x10: {  	[smem:$0x3FB0] =	sst s8  }
0x11: {  	[smem:$0x3FB1] =	sst s9;
	s0 =	simm.s32 @!p0 $0x0  }
0x12: {  	s1 =	sld [smem:$0x3F97];
	s0 =	simm.s32 @p0 $0x1  }
0x13: {  	[smem:$0x3FB2] =	sst s0;
	s0 =	simm.s32 @!p1 $0x0  }
0x14: {  	s2 =	sld [smem:$0x3F96];
	s0 =	simm.s32 @p1 $0x1  }
0x15: {  	[smem:$0x3FB3] =	sst s0;
	s0 =	simm.s32 @!p2 $0x0  }
0x16: {  	s3 =	sld [smem:$0x3FDB];
	s0 =	simm.s32 @p2 $0x1  }
0x17: {  	s4 =	simm.s32 $0x1BF5;
	[smem:$0x3FB5] =	sst s0  }
0x18: {  	s0 =	sld [smem:$0x3F98];
	_ =	swait.ge [sflag:s4], $0x0  }
0x19: {  	s7 =	sld [smem:$0x3F99]  }
0x1a: {  	s8 =	sadd.s32 $0xFFFFE003, lr  }
0x1b: {  	s9 =	sadd.s32 $0xFFFFFEF7, lr;
	s5 =	simm.s32 $0xFFFFFFFF;
	p2 =	slt.u32 s8, $0xFFFFF086  }
0x1c: {  	p1 =	slt.u32 s9, $0xF7A;
	s5 =	simm.s32 @!p2 $0x0  }
0x1d: {  	s5 =	simm.s32 @p1 $0x1;
	p0 =	seq.s32 s7, s2  }
0x1e: {  	s7 =	smul.u32 @!p0 $0xF7A, s2;
	p2 =	seq.s32 @!p0 s5, $0x0  }
0x1f: {  	s9 =	smul.u32 $0xF7A, s1;
	s8 =	simm.s32 @!p0 $0x1BF5;
	p2 =	por !p2, p0  }
0x20: {  	[sflag:s8] =	ssyncset.s32 @!p0 $0xFFFFF086;
	s6 =	sadd.s32 @!p0 s3, s7;
	s7 =	simm.s32 @!p0 $0x108  }
0x21: {  	s3 =	sadd.s32 s3, s9;
	s6 =	sadd.s32 @!p0 $0x88, s6;
	s7 =	simm.s32 @p2 $0x1082  }
0x22: {  	[simem:s7], [sflag:s8] =	dma.local @!p0 [hbm:s6], $0xF7A  }
0x23: {  	s9 =	sor.u32 $0xD0000000, s2;
	s6 =	simm.s32 $0x108;
	_ =	swait.ge @!p0 [sflag:s8], $0x0  }
0x24: {  	s3 =	sadd.s32 $0x88, s3;
	s6 =	simm.s32 @!p1 $0x1082;
	[sflag:s4] =	ssyncset.s32 $0xFFFFF086  }
0x25: {  	[simem:s6], [sflag:s4] =	dma.local [hbm:s3], $0xF7A  }
0x26: {  	[smem:$0x3F99] =	sst s1;
	(tag) =	ssettag s2;
	_ =	strace s9  }
0x27: {  	s1 =	sld [smem:$0x3FA9]  }
0x28: {  	s2 =	sld [smem:$0x3FAA]  }
0x29: {  	s4 =	sld [smem:$0x3FAC]  }
0x2a: {  	p0 =	seq.s32 s5, $0x0;
	s5 =	sld [smem:$0x3FAD]  }
0x2b: {  	s6 =	sld [smem:$0x3FAE]  }
0x2c: {  	s7 =	sld [smem:$0x3FAF]  }
0x2d: {  	s3 =	simm.s32 $0x108;
	s8 =	sld [smem:$0x3FB0]  }
0x2e: {  	s3 =	simm.s32 @!p0 $0x1082;
	s9 =	sld [smem:$0x3FB1]  }
0x2f: {  	lr =	sadd.s32 s0, s3;
	s0 =	sld [smem:$0x3FA8]  }
0x30: {  	s3 =	sld [smem:$0x3FAB]  }
0x31: {  	[smem:$0x3FB4] =	sst s10  }
0x32: {  	s10 =	sld [smem:$0x3FB2];
	_ =	sdelay $0x3  }
0x33: {  	p0 =	seq.s32 s10, $0x1;
	s10 =	sld [smem:$0x3FB4];
	_ =	sdelay $0x3  }
0x34: {  	[smem:$0x3FB4] =	sst s10  }
0x35: {  	s10 =	sld [smem:$0x3FB3];
	_ =	sdelay $0x3  }
0x36: {  	p1 =	seq.s32 s10, $0x1;
	s10 =	sld [smem:$0x3FB4];
	_ =	sdelay $0x3  }
0x37: {  	[smem:$0x3FB4] =	sst s10  }
0x38: {  	s10 =	sld [smem:$0x3FB5]  }
0x39: {  	_ = 	snop;
	(pc) =	sbr.ind lr, $3  }
0x3a: {  	_ = 	snop  }
0x3b: {  	_ = 	snop  }
0x3c: {  	p2 =	seq.s32 s10, $0x1;
	s10 =	sld [smem:$0x3FB4]  }
0x3d: {  	_ =	shalt  }
0x3e: {  	_ =	shalt  }
0x3f: {  	_ =	shalt  }
0x40: {  	_ =	shalt  }
0x41: {  	_ =	shalt  }
0x42: {  	_ =	shalt  }
0x43: {  	_ =	shalt  }
0x44: {  	_ =	shalt  }
0x45: {  	_ =	shalt  }
0x46: {  	_ =	shalt  }
0x47: {  	_ =	shalt  }
0x48: {  	_ =	shalt  }
0x49: {  	_ =	shalt  }
0x4a: {  	_ =	shalt  }
0x4b: {  	_ =	shalt  }
0x4c: {  	_ =	shalt  }
0x4d: {  	_ =	shalt  }
0x4e: {  	_ =	shalt  }
0x4f: {  	_ =	shalt  }
0x50: {  	_ =	shalt  }
0x51: {  	_ =	shalt  }
0x52: {  	_ =	shalt  }
0x53: {  	_ =	shalt  }
0x54: {  	_ =	shalt  }
0x55: {  	_ =	shalt  }
0x56: {  	_ =	shalt  }
0x57: {  	_ =	shalt  }
0x58: {  	_ =	shalt  }
0x59: {  	_ =	shalt  }
0x5a: {  	_ =	shalt  }
0x5b: {  	_ =	shalt  }
0x5c: {  	_ =	shalt  }
0x5d: {  	_ =	shalt  }
0x5e: {  	_ =	shalt  }
0x5f: {  	_ =	shalt  }
0x60: {  	_ =	shalt  }
0x61: {  	_ =	shalt  }
0x62: {  	_ =	shalt  }
0x63: {  	_ =	shalt  }
0x64: {  	_ =	shalt  }
0x65: {  	_ =	shalt  }
0x66: {  	_ =	shalt  }
0x67: {  	_ =	shalt  }
0x68: {  	_ =	shalt  }
0x69: {  	_ =	shalt  }
0x6a: {  	_ =	shalt  }
0x6b: {  	_ =	shalt  }
0x6c: {  	_ =	shalt  }
0x6d: {  	_ =	shalt  }
0x6e: {  	_ =	shalt  }
0x6f: {  	_ =	shalt  }
0x70: {  	_ =	shalt  }
0x71: {  	_ =	shalt  }
0x72: {  	_ =	shalt  }
0x73: {  	_ =	shalt  }
0x74: {  	_ =	shalt  }
0x75: {  	_ =	shalt  }
0x76: {  	_ =	shalt  }
0x77: {  	_ =	shalt  }
0x78: {  	_ =	shalt  }
0x79: {  	_ =	shalt  }
0x7a: {  	_ =	shalt  }
0x7b: {  	_ =	shalt  }
0x7c: {  	_ =	shalt  }
0x7d: {  	_ =	shalt  }
0x7e: {  	_ =	shalt  }
0x7f: {  	_ =	shalt  }
0x80: {  	_ =	shalt  }
0x81: {  	_ =	shalt  }
0x82: {  	_ =	shalt  }
0x83: {  	_ =	shalt  }
0x84: {  	_ =	shalt  }
0x85: {  	_ =	shalt  }
0x86: {  	_ =	shalt  }
0x87: {  	_ =	shalt  }
.Lfunc_end0:
.L_simem_size_0:
called_computation_lowered:
.L_overlay_start_0:
0x88: {  	s2 =	sld [smem:$0x3FD9]  }
0x89: {  	s3 =	sld [smem:$0x3FFE];
	_ =	sdelay $0x1  }
0x8a: {  	s1 =	srdreg.scid  }
0x8b: {  	s0 =	sand.u32 $0x1, s1  }
0x8c: {  	s14 =	sshll.u32 s0, $0xA;
	s2 =	sadd.s32 s3, s2  }
0x8d: {  	s2 =	sadd.s32 s2, s14  }
0x8e: {  	[smem:$0x3FC0] =	sst s2  }
0x8f: {  	_ = 	snop  }
0x90: {  	s2 =	sld [smem:$0x3FD0];
	_ =	sdelay $0x2  }
0x91: {  	s15 =	simm.s32 $0xB;
	s4 =	simm.s32 $0x10  }
0x92: {  	[smem:s4], [sflag:s15] =	dma.local [hbm:s2], $0x1  }
0x93: {  	_ =	swait.eq [sflag:s15], $0x1  }
0x94: {  	[sflag:s15] =	ssyncset.done $0x0  }
0x95: {  	[sflag:s15] =	ssyncadd.s32 $0xFFFFFFFF  }
0x96: {  	s16 =	sld [smem:$0x10];
	(tm) =	ssettm $0x1  }
0x97: {  	s17 =	sld [smem:$0x3FFB];
	_ =	sdelay $0x3  }
0x98: {  	_ =	strace s17  }
0x99: {  	s3 =	sld [smem:$0x3FFC];
	_ =	sdelay $0x3  }
0x9a: {  	_ =	strace s3  }
0x9b: {  	s3 =	sld [smem:$0x3FFD];
	_ =	sdelay $0x3  }
0x9c: {  	_ =	strace s3  }
0x9d: {  	_ =	strace $0x8FFFFFFF  }
0x9e: {  	s18 =	sld [smem:$0x3FDB];
	_ =	sdelay $0x1  }
0x9f: {  	s19 =	simm.s32 $_scs_section_size  }
0xa0: {  	s5 =	simm.s32 $_size__tile_overlayer_lowered;
	s6 =	simm.s32 $_tile_overlayer_lowered  }
0xa1: {  	s22 =	simm.s32 $0x1BFF;
	s21 =	sshll.u32 s6, $0x1;
	s3 =	sadd.s32 s19, s18  }
0xa2: {  	s7 =	simm.s32 $0x0;
	s20 =	sshll.u32 s5, $0x1;
	s5 =	sadd.s32 s21, s3  }
0xa3: {  	[timem:s7], [sflag:s22] =	dma.local [hbm:s5], s20  }
0xa4: {  	_ =	swait.ge [sflag:s22], s20  }
0xa5: {  	s4 =	ssub.s32 $0x0, s20;
	[sflag:s22] =	ssyncset.done $0x0  }
0xa6: {  	[sflag:s22] =	ssyncadd.s32 s4;
	_ =	sdelay $0x1  }
0xa7: {  	s23 =	simm.s32 $0x1B8B  }
0xa8: {  	_ =	swait.ge [sflag:s23], $0x1  }
0xa9: {  	[sflag:s23] =	ssyncset.done $0x0  }
0xaa: {  	s25 =	simm.s32 $0x1B8E;
	s24 =	sld [smem:$0x3FFE];
	[sflag:s23] =	ssyncadd.s32 $0xFFFFFFFF  }
0xab: {  	s26 =	simm.s32 $execute0_lowered;
	[smem:$0x3FD2] =	sst s25  }
0xac: {  	s5 =	sshll.u32 s26, $0x1;
	_ =	strace $0x80000046;
	[dreg:$0x1] =	wrdreg $0xFFFFFFFF  }
0xad: {  	s28 =	simm.s32 $_size_execute0_lowered;
	s3 =	sadd.s32 s3, s5;
	[dreg:$0x0] =	wrdreg $0x0  }
0xae: {  	s5 =	sshll.u32 s28, $0x1;
	[dreg:$0x2] =	wrdreg s3  }
0xaf: {  	[dreg:$0x3] =	wrdreg s5  }
0xb0: {  	[dreg:$0x4] =	wrdreg $0xC0  }
0xb1: {  	_ =	task [dreg:s7], $0x5FFFF  }
0xb2: {  	[dreg:$0x1] =	wrdreg $0xFFFFFFFF  }
0xb3: {  	[dreg:$0x0] =	wrdreg $0x60  }
0xb4: {  	[dreg:$0x2] =	wrdreg s16  }
0xb5: {  	[dreg:$0x3] =	wrdreg s24  }
0xb6: {  	[dreg:$0x4] =	wrdreg $0x9  }
0xb7: {  	_ =	task.clear_ibuf [dreg:s7], $0x5FFFF;
	_ =	strace $0x90000046  }
0xb8: {  	s29 =	simm.s32 $0x9;
	_ =	strace $0x80000048  }
0xb9: {  	_ =	swait.ge [sflag:s29], $0x1  }
0xba: {  	[sflag:s29] =	ssyncadd.s32 $0xFFFFFFFF  }
0xbb: {  	_ =	strace $0x90000048  }
0xbc: {  	_ =	sfence  }
0xbd: {  	s30 =	sld [smem:$0x0];
	_ =	sdelay $0x2  }
0xbe: {  	s31 =	sshll.u32 s1, $0xD;
	s1 =	sshrl.u32 s1, $0x2  }
0xbf: {  	s3 =	sand.u32 $0x4000, s31;
	s1 =	sadd.s32 s1, s30  }
0xc0: {  	s0 =	sor.u32 s3, s0;
	s1 =	sshll.u32 s1, $0x11  }
0xc1: {  	s0 =	sor.u32 s1, s0  }
0xc2: {  	s0 =	sadd.s32 $0x8F2B, s0  }
0xc3: {  	[sflag:s0] =	ssyncadd.remote.s32 $0x1  }
0xc4: {  	_ =	sfence.sel $0xFFFF  }
0xc5: {  	[dreg:$0x0] =	wrdreg $0xFFFFFFFF;
	(pc) =	sbr.abs _section_cstart, $3  }
0xc6: {  	[dreg:$0x1] =	wrdreg $0xFFFFFFFF  }
0xc7: {  	_ =	task.clear_ibuf [dreg:s7], $0x2FFFF;
	_ =	strace $0x9FFFFFFF  }
0xc8: {  	(tm) =	ssettm $0x7FFFFFFF  }
0xc9: {  	_ =	shalt  }
tec
execute0_lowered:
.L_overlay_start_1:
0x0: {  	(tag) =	ssettag $0x1  }
0x1: {  	s1 =	srdreg.scid;
	s0 =	stileid.u32  }
0x2: {  	s13 =	sand.u32 $0x1, s1;
	s31 =	sshll.u32 s0, $0x1  }
0x3: {  	s1 =	sor.u32 s13, s31  }
0x4: {  	s7 =	rddreg [dreg:$0x0];
	s3 =	smul.u32 $0xC80, s1  }
0x5: {  	s11 =	rddreg [dreg:$0x1];
	s2 =	simm.s32 $0x0  }
0x6: {  	s4 =	simm.s32 $0x2;
	[smem:$0x7FF] =	sst s2;
	s8 =	sshrl.u32 s3, $0x3  }
0x7: {  	s1 =	rddreg [dreg:$0x2];
	_ =	strace $0x80000047;
	s3 =	sadd.s32 s7, s8  }
0x8: {  	[tilespmem:s2], [sflag:$0x2] =	stream.linear.gather [hbm4b:s3+s2], $0x640, $0x38;
	[tilespmem:$0x1A00] =	vst v63  }
0x9: {  	_ =	swait.ge [sflag:s4], $0x640  }
0xa: {  	s9 =	sadd.s32 $0x2800, s11;
	[sflag:s4] =	ssyncset.done $0x0  }
0xb: {  	s6 =	simm.s32 $0xD00;
	s5 =	sadd.s32 s9, s8;
	[sflag:s4] =	ssyncadd.s32 $0xFFFFF9C0  }
0xc: {  	[tilespmem:s6], [sflag:$0x2] =	stream.linear.gather [hbm4b:s5+s2], $0x640, $0x38;
	[tilespmem:$0x1A00] =	vst v63  }
0xd: {  	_ =	swait.ge [sflag:s4], $0x640  }
0xe: {  	s10 =	sadd.s32 $0xC8, s8;
	[sflag:s4] =	ssyncset.done $0x0  }
0xf: {  	s8 =	simm.s32 $0x680;
	s7 =	sadd.s32 s7, s10;
	[sflag:s4] =	ssyncadd.s32 $0xFFFFF9C0  }
0x10: {  	[tilespmem:s8], [sflag:$0x2] =	stream.linear.gather [hbm4b:s7+s2], $0x640, $0x38;
	[tilespmem:$0x1A00] =	vst v63  }
0x11: {  	_ =	swait.ge [sflag:s4], $0x640  }
0x12: {  	s14 =	ssub.s32 $0x2, s13;
	[sflag:s4] =	ssyncset.done $0x0  }
0x13: {  	s9 =	sadd.s32 s9, s10;
	s10 =	simm.s32 $0x1380;
	[sflag:s4] =	ssyncadd.s32 $0xFFFFF9C0  }
0x14: {  	[tilespmem:s10], [sflag:$0x2] =	stream.linear.gather [hbm4b:s9+s2], $0x640, $0x38;
	[tilespmem:$0x1A00] =	vst v63  }
0x15: {  	s15 =	sshrl.u32 s14, $0x1;
	_ =	swait.ge [sflag:s4], $0x640  }
0x16: {  	s12 =	simm.s32 $0x640;
	s14 =	ssub.s32 s14, s15;
	[sflag:s4] =	ssyncset.done $0x0  }
0x17: {  	s11 =	sadd.s32 $0x9A00, s11;
	s14 =	smax.u32 s14, $0x1;
	[sflag:s4] =	ssyncadd.s32 $0xFFFFF9C0  }
0x18: {  	[hbm4b:s11+s12] =	stream.indirect.scatter [tilespmem:s6], [sflag:$0x1], $0x1, s2, s12, $0xb8;
	[tilespmem:$0x1A00] =	vst v63  }
0x19: {  	s13 =	simm.s32 $0x1;
	p0 =	sne.s32 s14, $0x1  }
0x1a: {  	[hbm4b:s11+s12] =	stream.indirect.scatter [tilespmem:s10], [sflag:$0x1], $0x1, s8, s12, $0xb8;
	[tilespmem:$0x1A00] =	vst v63  }
.Ltmp0:
0x1b: {  	_ =	swait.ge [sflag:s13], $0x640;
	(pc) =	sbr.rel @!p0 .LBB2_2-.Ltmp0, $4  }
0x1c: {  	[sflag:s13] =	ssyncset.done $0x0  }
0x1d: {  	[sflag:s13] =	ssyncadd.s32 $0xFFFFF9C0  }
0x1e: {  	_ =	swait.ge [sflag:s13], $0x640  }
0x1f: {  	s14 =	sadd.s32 $0xFFFFFFFF, s14;
	[sflag:s13] =	ssyncset.done $0x0  }
.LBB2_1:
0x20: {  	p0 =	sne.s32 s14, $0x1;
	s14 =	sadd.s32 $0xFFFFFFFF, s14;
	[sflag:s13] =	ssyncadd.s32 $0xFFFFF9C0  }
0x21: {  	[tilespmem:s2], [sflag:$0x2] =	stream.linear.gather [hbm4b:s3+s2], $0x640, $0x38;
	[tilespmem:$0x1A00] =	vst v63  }
0x22: {  	_ =	swait.ge [sflag:s4], $0x640  }
0x23: {  	[sflag:s4] =	ssyncset.done $0x0  }
0x24: {  	[sflag:s4] =	ssyncadd.s32 $0xFFFFF9C0  }
0x25: {  	[tilespmem:s6], [sflag:$0x2] =	stream.linear.gather [hbm4b:s5+s2], $0x640, $0x38;
	[tilespmem:$0x1A00] =	vst v63  }
0x26: {  	_ =	swait.ge [sflag:s4], $0x640  }
0x27: {  	[sflag:s4] =	ssyncset.done $0x0  }
0x28: {  	[sflag:s4] =	ssyncadd.s32 $0xFFFFF9C0  }
0x29: {  	[tilespmem:s8], [sflag:$0x2] =	stream.linear.gather [hbm4b:s7+s2], $0x640, $0x38;
	[tilespmem:$0x1A00] =	vst v63  }
0x2a: {  	_ =	swait.ge [sflag:s4], $0x640  }
0x2b: {  	[sflag:s4] =	ssyncset.done $0x0  }
0x2c: {  	[sflag:s4] =	ssyncadd.s32 $0xFFFFF9C0  }
0x2d: {  	[tilespmem:s10], [sflag:$0x2] =	stream.linear.gather [hbm4b:s9+s2], $0x640, $0x38;
	[tilespmem:$0x1A00] =	vst v63  }
0x2e: {  	_ =	swait.ge [sflag:s4], $0x640  }
0x2f: {  	[sflag:s4] =	ssyncset.done $0x0  }
0x30: {  	[sflag:s4] =	ssyncadd.s32 $0xFFFFF9C0  }
0x31: {  	[hbm4b:s11+s12] =	stream.indirect.scatter [tilespmem:s6], [sflag:$0x1], $0x1, s2, s12, $0xb8;
	[tilespmem:$0x1A00] =	vst v63  }
0x32: {  	_ = 	snop  }
0x33: {  	[hbm4b:s11+s12] =	stream.indirect.scatter [tilespmem:s10], [sflag:$0x1], $0x1, s8, s12, $0xb8;
	[tilespmem:$0x1A00] =	vst v63  }
.Ltmp1:
0x34: {  	_ =	swait.ge [sflag:s13], $0x640;
	(pc) =	sbr.rel @p0 .LBB2_1-.Ltmp1, $4  }
0x35: {  	[sflag:s13] =	ssyncset.done $0x0  }
0x36: {  	[sflag:s13] =	ssyncadd.s32 $0xFFFFF9C0  }
0x37: {  	_ =	swait.ge [sflag:s13], $0x640  }
0x38: {  	[sflag:s13] =	ssyncset.done $0x0  }
.LBB2_2:
0x39: {  	[sflag:s13] =	ssyncadd.s32 $0xFFFFF9C0  }
0x3a: {  	_ =	sfence.sel $0x180000  }
0x3b: {  	[bflag:$0x0] =	sbarrier.arrive $0xFFFF  }
0x3c: {  	p0 =	sne.s32 s0, $0x0;
	_ =	strace $0x90000047  }
0x3d: {  	s0 =	sadd.s32 @!p0 $0x100000, s1;
	[bflag:$0x2] =	sbarrier.arrive $0xFFFF  }
0x3e: {  	[sflag:s0] =	ssyncadd.tile.s32 @!p0 $0x1;
	_ =	shalt  }
.Lfunc_end2:
_tile_overlayer_lowered:
.L_overlay_start_2:
0x3f: {  	(tag) =	ssettag $0x2  }
0x40: {  	s0 =	rddreg [dreg:$0x0];
	s2 =	stileid.u32  }
0x41: {  	s1 =	rddreg [dreg:$0x1];
	p0 =	sne.s32 s2, $0x0  }
0x42: {  	s3 =	rddreg [dreg:$0x2];
	[bflag:$0x3] =	sbarrier.arrive $0xFFFF;
	s2 =	simm.s32 @!p0 $0x1C02  }
0x43: {  	[timem:s3], [sflag:s2] =	dma.local @!p0 [hbm:s0], s1  }
0x44: {  	s0 =	simm.s32 @!p0 $0x2  }
0x45: {  	_ =	swait.ge @!p0 [sflag:s0], s1  }
0x46: {  	s1 =	ssub.s32 @!p0 $0x0, s1;
	[sflag:s0] =	ssyncset.done @!p0 $0x0  }
0x47: {  	[sflag:s0] =	ssyncadd.s32 @!p0 s1  }
0x48: {  	[bflag:$0x3] =	sbarrier.arrive $0xFFFF  }
0x49: {  	_ =	shalt  }

// kernel: kernel.9.cloned.1.call-start
scs
__scs_entry_jumppad:
0x0: {  	(pc) =	sbr.rel $0x88, $3  }
0x1: {  	(tag) =	ssettag $0x0;
	lr =	simm.s32 $0x1  }
0x2: {  	[smem:$0x3F99] =	sst lr;
	_ =	strace $0xD0000000  }
0x3: {  	_ = 	snop  }
0x4: {  	_ = 	snop  }
0x5: {  	_ = 	snop  }
0x6: {  	_ = 	snop  }
0x7: {  	_ = 	snop  }
__scs_overlays_trampoline_lowered:
0x8: {  	[smem:$0x3FA8] =	sst s0  }
0x9: {  	[smem:$0x3FA9] =	sst s1  }
0xa: {  	[smem:$0x3FAA] =	sst s2  }
0xb: {  	[smem:$0x3FAB] =	sst s3  }
0xc: {  	[smem:$0x3FAC] =	sst s4  }
0xd: {  	[smem:$0x3FAD] =	sst s5  }
0xe: {  	[smem:$0x3FAE] =	sst s6  }
0xf: {  	[smem:$0x3FAF] =	sst s7  }
0x10: {  	[smem:$0x3FB0] =	sst s8  }
0x11: {  	[smem:$0x3FB1] =	sst s9;
	s0 =	simm.s32 @!p0 $0x0  }
0x12: {  	s1 =	sld [smem:$0x3F97];
	s0 =	simm.s32 @p0 $0x1  }
0x13: {  	[smem:$0x3FB2] =	sst s0;
	s0 =	simm.s32 @!p1 $0x0  }
0x14: {  	s2 =	sld [smem:$0x3F96];
	s0 =	simm.s32 @p1 $0x1  }
0x15: {  	[smem:$0x3FB3] =	sst s0;
	s0 =	simm.s32 @!p2 $0x0  }
0x16: {  	s3 =	sld [smem:$0x3FDB];
	s0 =	simm.s32 @p2 $0x1  }
0x17: {  	s4 =	simm.s32 $0x1BF5;
	[smem:$0x3FB5] =	sst s0  }
0x18: {  	s0 =	sld [smem:$0x3F98];
	_ =	swait.ge [sflag:s4], $0x0  }
0x19: {  	s7 =	sld [smem:$0x3F99]  }
0x1a: {  	s8 =	sadd.s32 $0xFFFFE003, lr  }
0x1b: {  	s9 =	sadd.s32 $0xFFFFFEF7, lr;
	s5 =	simm.s32 $0xFFFFFFFF;
	p2 =	slt.u32 s8, $0xFFFFF086  }
0x1c: {  	p1 =	slt.u32 s9, $0xF7A;
	s5 =	simm.s32 @!p2 $0x0  }
0x1d: {  	s5 =	simm.s32 @p1 $0x1;
	p0 =	seq.s32 s7, s2  }
0x1e: {  	s7 =	smul.u32 @!p0 $0xF7A, s2;
	p2 =	seq.s32 @!p0 s5, $0x0  }
0x1f: {  	s9 =	smul.u32 $0xF7A, s1;
	s8 =	simm.s32 @!p0 $0x1BF5;
	p2 =	por !p2, p0  }
0x20: {  	[sflag:s8] =	ssyncset.s32 @!p0 $0xFFFFF086;
	s6 =	sadd.s32 @!p0 s3, s7;
	s7 =	simm.s32 @!p0 $0x108  }
0x21: {  	s3 =	sadd.s32 s3, s9;
	s6 =	sadd.s32 @!p0 $0x88, s6;
	s7 =	simm.s32 @p2 $0x1082  }
0x22: {  	[simem:s7], [sflag:s8] =	dma.local @!p0 [hbm:s6], $0xF7A  }
0x23: {  	s9 =	sor.u32 $0xD0000000, s2;
	s6 =	simm.s32 $0x108;
	_ =	swait.ge @!p0 [sflag:s8], $0x0  }
0x24: {  	s3 =	sadd.s32 $0x88, s3;
	s6 =	simm.s32 @!p1 $0x1082;
	[sflag:s4] =	ssyncset.s32 $0xFFFFF086  }
0x25: {  	[simem:s6], [sflag:s4] =	dma.local [hbm:s3], $0xF7A  }
0x26: {  	[smem:$0x3F99] =	sst s1;
	(tag) =	ssettag s2;
	_ =	strace s9  }
0x27: {  	s1 =	sld [smem:$0x3FA9]  }
0x28: {  	s2 =	sld [smem:$0x3FAA]  }
0x29: {  	s4 =	sld [smem:$0x3FAC]  }
0x2a: {  	p0 =	seq.s32 s5, $0x0;
	s5 =	sld [smem:$0x3FAD]  }
0x2b: {  	s6 =	sld [smem:$0x3FAE]  }
0x2c: {  	s7 =	sld [smem:$0x3FAF]  }
0x2d: {  	s3 =	simm.s32 $0x108;
	s8 =	sld [smem:$0x3FB0]  }
0x2e: {  	s3 =	simm.s32 @!p0 $0x1082;
	s9 =	sld [smem:$0x3FB1]  }
0x2f: {  	lr =	sadd.s32 s0, s3;
	s0 =	sld [smem:$0x3FA8]  }
0x30: {  	s3 =	sld [smem:$0x3FAB]  }
0x31: {  	[smem:$0x3FB4] =	sst s10  }
0x32: {  	s10 =	sld [smem:$0x3FB2];
	_ =	sdelay $0x3  }
0x33: {  	p0 =	seq.s32 s10, $0x1;
	s10 =	sld [smem:$0x3FB4];
	_ =	sdelay $0x3  }
0x34: {  	[smem:$0x3FB4] =	sst s10  }
0x35: {  	s10 =	sld [smem:$0x3FB3];
	_ =	sdelay $0x3  }
0x36: {  	p1 =	seq.s32 s10, $0x1;
	s10 =	sld [smem:$0x3FB4];
	_ =	sdelay $0x3  }
0x37: {  	[smem:$0x3FB4] =	sst s10  }
0x38: {  	s10 =	sld [smem:$0x3FB5]  }
0x39: {  	_ = 	snop;
	(pc) =	sbr.ind lr, $3  }
0x3a: {  	_ = 	snop  }
0x3b: {  	_ = 	snop  }
0x3c: {  	p2 =	seq.s32 s10, $0x1;
	s10 =	sld [smem:$0x3FB4]  }
0x3d: {  	_ =	shalt  }
0x3e: {  	_ =	shalt  }
0x3f: {  	_ =	shalt  }
0x40: {  	_ =	shalt  }
0x41: {  	_ =	shalt  }
0x42: {  	_ =	shalt  }
0x43: {  	_ =	shalt  }
0x44: {  	_ =	shalt  }
0x45: {  	_ =	shalt  }
0x46: {  	_ =	shalt  }
0x47: {  	_ =	shalt  }
0x48: {  	_ =	shalt  }
0x49: {  	_ =	shalt  }
0x4a: {  	_ =	shalt  }
0x4b: {  	_ =	shalt  }
0x4c: {  	_ =	shalt  }
0x4d: {  	_ =	shalt  }
0x4e: {  	_ =	shalt  }
0x4f: {  	_ =	shalt  }
0x50: {  	_ =	shalt  }
0x51: {  	_ =	shalt  }
0x52: {  	_ =	shalt  }
0x53: {  	_ =	shalt  }
0x54: {  	_ =	shalt  }
0x55: {  	_ =	shalt  }
0x56: {  	_ =	shalt  }
0x57: {  	_ =	shalt  }
0x58: {  	_ =	shalt  }
0x59: {  	_ =	shalt  }
0x5a: {  	_ =	shalt  }
0x5b: {  	_ =	shalt  }
0x5c: {  	_ =	shalt  }
0x5d: {  	_ =	shalt  }
0x5e: {  	_ =	shalt  }
0x5f: {  	_ =	shalt  }
0x60: {  	_ =	shalt  }
0x61: {  	_ =	shalt  }
0x62: {  	_ =	shalt  }
0x63: {  	_ =	shalt  }
0x64: {  	_ =	shalt  }
0x65: {  	_ =	shalt  }
0x66: {  	_ =	shalt  }
0x67: {  	_ =	shalt  }
0x68: {  	_ =	shalt  }
0x69: {  	_ =	shalt  }
0x6a: {  	_ =	shalt  }
0x6b: {  	_ =	shalt  }
0x6c: {  	_ =	shalt  }
0x6d: {  	_ =	shalt  }
0x6e: {  	_ =	shalt  }
0x6f: {  	_ =	shalt  }
0x70: {  	_ =	shalt  }
0x71: {  	_ =	shalt  }
0x72: {  	_ =	shalt  }
0x73: {  	_ =	shalt  }
0x74: {  	_ =	shalt  }
0x75: {  	_ =	shalt  }
0x76: {  	_ =	shalt  }
0x77: {  	_ =	shalt  }
0x78: {  	_ =	shalt  }
0x79: {  	_ =	shalt  }
0x7a: {  	_ =	shalt  }
0x7b: {  	_ =	shalt  }
0x7c: {  	_ =	shalt  }
0x7d: {  	_ =	shalt  }
0x7e: {  	_ =	shalt  }
0x7f: {  	_ =	shalt  }
0x80: {  	_ =	shalt  }
0x81: {  	_ =	shalt  }
0x82: {  	_ =	shalt  }
0x83: {  	_ =	shalt  }
0x84: {  	_ =	shalt  }
0x85: {  	_ =	shalt  }
0x86: {  	_ =	shalt  }
0x87: {  	_ =	shalt  }
.Lfunc_end0:
.L_simem_size_0:
called_computation.1_lowered:
.L_overlay_start_0:
0x88: {  	s2 =	sld [smem:$0x3FD9]  }
0x89: {  	s3 =	sld [smem:$0x3FFE];
	_ =	sdelay $0x1  }
0x8a: {  	s1 =	srdreg.scid  }
0x8b: {  	s0 =	sand.u32 $0x1, s1  }
0x8c: {  	s17 =	sshll.u32 s0, $0xA;
	s2 =	sadd.s32 s3, s2  }
0x8d: {  	s2 =	sadd.s32 s2, s17  }
0x8e: {  	[smem:$0x3FC0] =	sst s2  }
0x8f: {  	_ = 	snop  }
0x90: {  	(tm) =	ssettm $0x1  }
0x91: {  	s18 =	sld [smem:$0x3FFB];
	_ =	sdelay $0x3  }
0x92: {  	_ =	strace s18  }
0x93: {  	s2 =	sld [smem:$0x3FFC];
	_ =	sdelay $0x3  }
0x94: {  	_ =	strace s2  }
0x95: {  	s2 =	sld [smem:$0x3FFD];
	_ =	sdelay $0x3  }
0x96: {  	_ =	strace s2  }
0x97: {  	_ =	strace $0x8FFFFFFF  }
0x98: {  	s19 =	sld [smem:$0x3FDB];
	_ =	sdelay $0x1  }
0x99: {  	s20 =	simm.s32 $_scs_section_size  }
0x9a: {  	s4 =	simm.s32 $_size__tile_overlayer_lowered;
	s5 =	simm.s32 $_tile_overlayer_lowered  }
0x9b: {  	s6 =	simm.s32 $0x1BFF;
	s21 =	sshll.u32 s5, $0x1;
	s3 =	sadd.s32 s20, s19  }
0x9c: {  	s22 =	simm.s32 $0x0;
	s4 =	sshll.u32 s4, $0x1;
	s5 =	sadd.s32 s21, s3  }
0x9d: {  	[timem:s22], [sflag:s6] =	dma.local [hbm:s5], s4  }
0x9e: {  	_ =	swait.ge [sflag:s6], s4  }
0x9f: {  	s4 =	ssub.s32 $0x0, s4;
	[sflag:s6] =	ssyncset.done $0x0  }
0xa0: {  	[sflag:s6] =	ssyncadd.s32 s4;
	_ =	sdelay $0x1  }
0xa1: {  	s23 =	simm.s32 $0x1B8B  }
0xa2: {  	_ =	swait.ge [sflag:s23], $0x1  }
0xa3: {  	[sflag:s23] =	ssyncset.done $0x0  }
0xa4: {  	[sflag:s23] =	ssyncadd.s32 $0xFFFFFFFF  }
0xa5: {  	s4 =	sld [smem:$0x0]  }
0xa6: {  	s5 =	sand.u32 $0xFFFFFFFE, s1  }
0xa7: {  	p0 =	sne.s32 s1, s5  }
0xa8: {  	s5 =	sshll.u32 @p0 s5, $0xE  }
0xa9: {  	s5 =	sadd.s32 @p0 $0x11B8D, s5;
	s6 =	sshll.u32 @p0 s4, $0x11  }
0xaa: {  	s5 =	sor.u32 @p0 s6, s5  }
0xab: {  	[sflag:s5] =	ssyncadd.remote.s32 @p0 $0x1;
	_ =	sdelay $0x1  }
0xac: {  	s5 =	simm.s32 @p0 $0x1B8D  }
0xad: {  	_ =	swait.eq @p0 [sflag:s5], $0x1  }
0xae: {  	[sflag:s5] =	ssyncadd.s32 @p0 $0xFFFFFFFF  }
0xaf: {  	s6 =	sshll.u32 @!p0 s1, $0xE  }
0xb0: {  	s6 =	sor.u32 @!p0 $0x4000, s6;
	s5 =	simm.s32 @!p0 $0x1B8D  }
0xb1: {  	s4 =	sshll.u32 @!p0 s4, $0x11;
	s6 =	sadd.s32 @!p0 $0x11B8D, s6;
	_ =	swait.eq @!p0 [sflag:s5], $0x1  }
0xb2: {  	s4 =	sor.u32 @!p0 s4, s6;
	[sflag:s5] =	ssyncadd.s32 @!p0 $0xFFFFFFFF  }
0xb3: {  	s25 =	simm.s32 $0x1B8E;
	s24 =	sld [smem:$0x3FFE];
	[sflag:s4] =	ssyncadd.remote.s32 @!p0 $0x1  }
0xb4: {  	s26 =	simm.s32 $execute0_lowered;
	[smem:$0x3FD2] =	sst s25  }
0xb5: {  	s5 =	sshll.u32 s26, $0x1;
	_ =	strace $0x80000049;
	[dreg:$0x1] =	wrdreg $0xFFFFFFFF  }
0xb6: {  	s28 =	simm.s32 $_size_execute0_lowered;
	s3 =	sadd.s32 s3, s5;
	[dreg:$0x0] =	wrdreg $0x0  }
0xb7: {  	s5 =	sshll.u32 s28, $0x1;
	[dreg:$0x2] =	wrdreg s3  }
0xb8: {  	[dreg:$0x3] =	wrdreg s5  }
0xb9: {  	[dreg:$0x4] =	wrdreg $0xC0  }
0xba: {  	_ =	task [dreg:s22], $0x5FFFF  }
0xbb: {  	[dreg:$0x1] =	wrdreg $0xFFFFFFFF  }
0xbc: {  	[dreg:$0x0] =	wrdreg $0x60  }
0xbd: {  	[dreg:$0x2] =	wrdreg s24  }
0xbe: {  	[dreg:$0x3] =	wrdreg $0xA  }
0xbf: {  	_ =	task.clear_ibuf [dreg:s22], $0x4FFFF;
	_ =	strace $0x90000049  }
0xc0: {  	s29 =	simm.s32 $0xA;
	_ =	strace $0x8000004B  }
0xc1: {  	_ =	swait.ge [sflag:s29], $0x1  }
0xc2: {  	[sflag:s29] =	ssyncadd.s32 $0xFFFFFFFF  }
0xc3: {  	_ =	strace $0x9000004B  }
0xc4: {  	_ =	sfence  }
0xc5: {  	s30 =	sld [smem:$0x0];
	_ =	sdelay $0x2  }
0xc6: {  	s31 =	sshll.u32 s1, $0xD;
	s1 =	sshrl.u32 s1, $0x2  }
0xc7: {  	s4 =	sand.u32 $0x4000, s31;
	s1 =	sadd.s32 s1, s30  }
0xc8: {  	s0 =	sor.u32 s4, s0;
	s1 =	sshll.u32 s1, $0x11  }
0xc9: {  	s0 =	sor.u32 s1, s0  }
0xca: {  	s0 =	sadd.s32 $0x8F2B, s0  }
0xcb: {  	[sflag:s0] =	ssyncadd.remote.s32 $0x1  }
0xcc: {  	_ =	sfence.sel $0xFFFF  }
0xcd: {  	[dreg:$0x0] =	wrdreg $0xFFFFFFFF;
	(pc) =	sbr.abs _section_cstart, $3  }
0xce: {  	[dreg:$0x1] =	wrdreg $0xFFFFFFFF  }
0xcf: {  	_ =	task.clear_ibuf [dreg:s22], $0x2FFFF;
	_ =	strace $0x9FFFFFFF  }
0xd0: {  	(tm) =	ssettm $0x7FFFFFFF  }
0xd1: {  	_ =	shalt  }
tec
execute0_lowered:
.L_overlay_start_1:
0x0: {  	(tag) =	ssettag $0x1  }
0x1: {  	s11 =	rddreg [dreg:$0x0];
	s2 =	srdreg.scid  }
0x2: {  	s0 =	rddreg [dreg:$0x1];
	s1 =	stileid.u32;
	s12 =	sand.u32 $0x1, s2  }
0x3: {  	s2 =	simm.s32 $0x0;
	s3 =	sshll.u32 s1, $0x9;
	s4 =	sshll.u32 s12, $0x8  }
0x4: {  	s7 =	sadd.s32 $0x5A00, s11;
	[smem:$0x7FF] =	sst s2;
	s8 =	sor.u32 s4, s3  }
0x5: {  	_ =	strace $0x8000004A;
	s4 =	simm.s32 $0x2;
	s3 =	sadd.s32 s7, s8  }
0x6: {  	[tilespmem:s2], [sflag:$0x2] =	stream.linear.gather [hbm4b:s3+s2], $0x400, $0x38;
	[tilespmem:$0x1000] =	vst v63  }
0x7: {  	_ =	swait.ge [sflag:s4], $0x400  }
0x8: {  	s9 =	sadd.s32 $0x7A00, s11;
	[sflag:s4] =	ssyncset.done $0x0  }
0x9: {  	s6 =	simm.s32 $0x800;
	s5 =	sadd.s32 s9, s8;
	[sflag:s4] =	ssyncadd.s32 $0xFFFFFC00  }
0xa: {  	[tilespmem:s6], [sflag:$0x2] =	stream.linear.gather [hbm4b:s5+s2], $0x400, $0x38;
	[tilespmem:$0x1000] =	vst v63  }
0xb: {  	_ =	swait.ge [sflag:s4], $0x400  }
0xc: {  	s10 =	sor.u32 $0x80, s8;
	[sflag:s4] =	ssyncset.done $0x0  }
0xd: {  	s8 =	simm.s32 $0x400;
	s7 =	sadd.s32 s7, s10;
	[sflag:s4] =	ssyncadd.s32 $0xFFFFFC00  }
0xe: {  	[tilespmem:s8], [sflag:$0x2] =	stream.linear.gather [hbm4b:s7+s2], $0x400, $0x38;
	[tilespmem:$0x1000] =	vst v63  }
0xf: {  	_ =	swait.ge [sflag:s4], $0x400  }
0x10: {  	s13 =	ssub.s32 $0x2, s12;
	[sflag:s4] =	ssyncset.done $0x0  }
0x11: {  	s9 =	sadd.s32 s9, s10;
	s10 =	simm.s32 $0xC00;
	[sflag:s4] =	ssyncadd.s32 $0xFFFFFC00  }
0x12: {  	[tilespmem:s10], [sflag:$0x2] =	stream.linear.gather [hbm4b:s9+s2], $0x400, $0x38;
	[tilespmem:$0x1000] =	vst v63  }
0x13: {  	s14 =	sshrl.u32 s13, $0x1;
	_ =	swait.ge [sflag:s4], $0x400  }
0x14: {  	s13 =	ssub.s32 s13, s14;
	[sflag:s4] =	ssyncset.done $0x0  }
0x15: {  	s11 =	sadd.s32 $0x209A00, s11;
	s13 =	smax.u32 s13, $0x1;
	[sflag:s4] =	ssyncadd.s32 $0xFFFFFC00  }
0x16: {  	[hbm4b:s11+s8] =	stream.indirect.scatter [tilespmem:s6], [sflag:$0x1], $0x1, s2, s8, $0xb8;
	[tilespmem:$0x1000] =	vst v63  }
0x17: {  	s12 =	simm.s32 $0x1;
	p0 =	sne.s32 s13, $0x1  }
0x18: {  	[hbm4b:s11+s8] =	stream.indirect.scatter [tilespmem:s10], [sflag:$0x1], $0x1, s8, s8, $0xb8;
	[tilespmem:$0x1000] =	vst v63  }
.Ltmp0:
0x19: {  	_ =	swait.ge [sflag:s12], $0x400;
	(pc) =	sbr.rel @!p0 .LBB2_2-.Ltmp0, $4  }
0x1a: {  	[sflag:s12] =	ssyncset.done $0x0  }
0x1b: {  	[sflag:s12] =	ssyncadd.s32 $0xFFFFFC00  }
0x1c: {  	_ =	swait.ge [sflag:s12], $0x400  }
0x1d: {  	s13 =	sadd.s32 $0xFFFFFFFF, s13;
	[sflag:s12] =	ssyncset.done $0x0  }
.LBB2_1:
0x1e: {  	p0 =	sne.s32 s13, $0x1;
	s13 =	sadd.s32 $0xFFFFFFFF, s13;
	[sflag:s12] =	ssyncadd.s32 $0xFFFFFC00  }
0x1f: {  	[tilespmem:s2], [sflag:$0x2] =	stream.linear.gather [hbm4b:s3+s2], $0x400, $0x38;
	[tilespmem:$0x1000] =	vst v63  }
0x20: {  	_ =	swait.ge [sflag:s4], $0x400  }
0x21: {  	[sflag:s4] =	ssyncset.done $0x0  }
0x22: {  	[sflag:s4] =	ssyncadd.s32 $0xFFFFFC00  }
0x23: {  	[tilespmem:s6], [sflag:$0x2] =	stream.linear.gather [hbm4b:s5+s2], $0x400, $0x38;
	[tilespmem:$0x1000] =	vst v63  }
0x24: {  	_ =	swait.ge [sflag:s4], $0x400  }
0x25: {  	[sflag:s4] =	ssyncset.done $0x0  }
0x26: {  	[sflag:s4] =	ssyncadd.s32 $0xFFFFFC00  }
0x27: {  	[tilespmem:s8], [sflag:$0x2] =	stream.linear.gather [hbm4b:s7+s2], $0x400, $0x38;
	[tilespmem:$0x1000] =	vst v63  }
0x28: {  	_ =	swait.ge [sflag:s4], $0x400  }
0x29: {  	[sflag:s4] =	ssyncset.done $0x0  }
0x2a: {  	[sflag:s4] =	ssyncadd.s32 $0xFFFFFC00  }
0x2b: {  	[tilespmem:s10], [sflag:$0x2] =	stream.linear.gather [hbm4b:s9+s2], $0x400, $0x38;
	[tilespmem:$0x1000] =	vst v63  }
0x2c: {  	_ =	swait.ge [sflag:s4], $0x400  }
0x2d: {  	[sflag:s4] =	ssyncset.done $0x0  }
0x2e: {  	[sflag:s4] =	ssyncadd.s32 $0xFFFFFC00  }
0x2f: {  	[hbm4b:s11+s8] =	stream.indirect.scatter [tilespmem:s6], [sflag:$0x1], $0x1, s2, s8, $0xb8;
	[tilespmem:$0x1000] =	vst v63  }
0x30: {  	_ = 	snop  }
0x31: {  	[hbm4b:s11+s8] =	stream.indirect.scatter [tilespmem:s10], [sflag:$0x1], $0x1, s8, s8, $0xb8;
	[tilespmem:$0x1000] =	vst v63  }
.Ltmp1:
0x32: {  	_ =	swait.ge [sflag:s12], $0x400;
	(pc) =	sbr.rel @p0 .LBB2_1-.Ltmp1, $4  }
0x33: {  	[sflag:s12] =	ssyncset.done $0x0  }
0x34: {  	[sflag:s12] =	ssyncadd.s32 $0xFFFFFC00  }
0x35: {  	_ =	swait.ge [sflag:s12], $0x400  }
0x36: {  	[sflag:s12] =	ssyncset.done $0x0  }
.LBB2_2:
0x37: {  	[sflag:s12] =	ssyncadd.s32 $0xFFFFFC00  }
0x38: {  	_ =	sfence.sel $0x180000  }
0x39: {  	[bflag:$0x0] =	sbarrier.arrive $0xFFFF  }
0x3a: {  	p0 =	sne.s32 s1, $0x0;
	_ =	strace $0x9000004A  }
0x3b: {  	s0 =	sadd.s32 @!p0 $0x100000, s0;
	[bflag:$0x2] =	sbarrier.arrive $0xFFFF  }
0x3c: {  	[sflag:s0] =	ssyncadd.tile.s32 @!p0 $0x1;
	_ =	shalt  }
.Lfunc_end2:
_tile_overlayer_lowered:
.L_overlay_start_2:
0x3d: {  	(tag) =	ssettag $0x2  }
0x3e: {  	s0 =	rddreg [dreg:$0x0];
	s2 =	stileid.u32  }
0x3f: {  	s1 =	rddreg [dreg:$0x1];
	p0 =	sne.s32 s2, $0x0  }
0x40: {  	s3 =	rddreg [dreg:$0x2];
	[bflag:$0x3] =	sbarrier.arrive $0xFFFF;
	s2 =	simm.s32 @!p0 $0x1C02  }
0x41: {  	[timem:s3], [sflag:s2] =	dma.local @!p0 [hbm:s0], s1  }
0x42: {  	s0 =	simm.s32 @!p0 $0x2  }
0x43: {  	_ =	swait.ge @!p0 [sflag:s0], s1  }
0x44: {  	s1 =	ssub.s32 @!p0 $0x0, s1;
	[sflag:s0] =	ssyncset.done @!p0 $0x0  }
0x45: {  	[sflag:s0] =	ssyncadd.s32 @!p0 s1  }
0x46: {  	[bflag:$0x3] =	sbarrier.arrive $0xFFFF  }
0x47: {  	_ =	shalt  }

</sc_bundles>
